<compile_context>
chip_gen: v7x
topology: tpu7x:2x2x1
jax: 0.10.2.dev20260603
libtpu: 0.0.44.dev20260713+nightly
codegen_flags: <defaults>
</compile_context>

<pallas_src>
import functools

import jax
import jax.numpy as jnp
from jax import lax
from jax.experimental import pallas as pl
from jax.experimental.pallas import tpu as pltpu
from jax.experimental.pallas import tpu_sc as plsc

N2 = 8192
K = 10
R2V = 0.0625
L = 16
NW = 32
QPW = N2 // NW
ROW = 16
B = 4


def _sc_body(xs_h, ys_h, zs_h, qx_h, qy_h, qz_h,
             map_h, ox_h, oy_h, oz_h,
             xs, ys, zs, qx, qy, qz, mbuf, oxb, oyb, ozb):
    wid = lax.axis_index("s") * 2 + lax.axis_index("c")
    base = wid * QPW

    pltpu.sync_copy(xs_h, xs)
    pltpu.sync_copy(ys_h, ys)
    pltpu.sync_copy(zs_h, zs)
    pltpu.sync_copy(qx_h.at[pl.ds(base, QPW)], qx)
    pltpu.sync_copy(qy_h.at[pl.ds(base, QPW)], qy)
    pltpu.sync_copy(qz_h.at[pl.ds(base, QPW)], qz)

    zi = jnp.zeros((L,), jnp.int32)
    zf = jnp.zeros((L,), jnp.float32)

    def zero_body(i, _):
        mbuf[pl.ds(i * L, L)] = zi
        oxb[pl.ds(i * L, L)] = zf
        oyb[pl.ds(i * L, L)] = zf
        ozb[pl.ds(i * L, L)] = zf
        return 0

    lax.fori_loop(0, QPW, zero_body, 0)

    iota = lax.iota(jnp.int32, L)

    def qblock_body(qb, _):
        qvx = qx[pl.ds(qb * L, L)]
        qvy = qy[pl.ds(qb * L, L)]
        qvz = qz[pl.ds(qb * L, L)]
        for batch in range(L // B):
            qs = [(qvx[batch * B + b], qvy[batch * B + b], qvz[batch * B + b])
                  for b in range(B)]

            def cond(carry):
                j = carry[0]
                cnts = carry[1:]
                not_done = cnts[0] < K
                for c in cnts[1:]:
                    not_done = jnp.logical_or(not_done, c < K)
                return jnp.logical_and(j < N2, not_done)

            def step(carry, qs=qs, batch=batch):
                j = carry[0]
                cnts = list(carry[1:])
                cx = xs[pl.ds(j, L)]
                cy = ys[pl.ds(j, L)]
                cz = zs[pl.ds(j, L)]
                cand = j + iota
                for b in range(B):
                    qxs, qys, qzs = qs[b]
                    q = qb * L + batch * B + b
                    dx = cx - qxs
                    dy = cy - qys
                    dz = cz - qzs
                    d2 = dx * dx + dy * dy + dz * dz
                    within = d2 <= R2V
                    wi = within.astype(jnp.int32)
                    excl = plsc.cumsum(wi) - wi
                    n_b = plsc.all_reduce_population_count(within)
                    slot = excl + cnts[b]
                    valid = jnp.logical_and(within, slot < K)
                    fidx = q * ROW + slot
                    plsc.store_scatter(mbuf, [fidx], cand, mask=valid)
                    plsc.store_scatter(oxb, [fidx], cx, mask=valid)
                    plsc.store_scatter(oyb, [fidx], cy, mask=valid)
                    plsc.store_scatter(ozb, [fidx], cz, mask=valid)
                    cnts[b] = cnts[b] + n_b[0]
                return (j + L, *cnts)

            lax.while_loop(cond, step,
                           (jnp.int32(0),) + (jnp.int32(0),) * B)
        return 0

    lax.fori_loop(0, QPW // L, qblock_body, 0)

    pltpu.sync_copy(mbuf, map_h.at[pl.ds(base * ROW, QPW * ROW)])
    pltpu.sync_copy(oxb, ox_h.at[pl.ds(base * ROW, QPW * ROW)])
    pltpu.sync_copy(oyb, oy_h.at[pl.ds(base * ROW, QPW * ROW)])
    pltpu.sync_copy(ozb, oz_h.at[pl.ds(base * ROW, QPW * ROW)])


_sc_ball_query = functools.partial(
    pl.kernel,
    out_type=[
        jax.ShapeDtypeStruct((N2 * ROW,), jnp.int32),
        jax.ShapeDtypeStruct((N2 * ROW,), jnp.float32),
        jax.ShapeDtypeStruct((N2 * ROW,), jnp.float32),
        jax.ShapeDtypeStruct((N2 * ROW,), jnp.float32),
    ],
    mesh=plsc.VectorSubcoreMesh(core_axis_name="c", subcore_axis_name="s"),
    compiler_params=pltpu.CompilerParams(needs_layout_passes=False),
    scratch_types=[
        pltpu.VMEM((N2,), jnp.float32),
        pltpu.VMEM((N2,), jnp.float32),
        pltpu.VMEM((N2,), jnp.float32),
        pltpu.VMEM((QPW,), jnp.float32),
        pltpu.VMEM((QPW,), jnp.float32),
        pltpu.VMEM((QPW,), jnp.float32),
        pltpu.VMEM((QPW * ROW,), jnp.int32),
        pltpu.VMEM((QPW * ROW,), jnp.float32),
        pltpu.VMEM((QPW * ROW,), jnp.float32),
        pltpu.VMEM((QPW * ROW,), jnp.float32),
    ],
)(_sc_body)


@jax.jit
def kernel(x, p_grid):
    b = x.shape[0]
    x2 = x[0]
    p2 = p_grid.reshape(N2, 3)
    m, ox, oy, oz = _sc_ball_query(
        x2[:, 0], x2[:, 1], x2[:, 2], p2[:, 0], p2[:, 1], p2[:, 2])
    mapping = m.reshape(N2, ROW)[:, :K]
    outputs = jnp.stack(
        [ox.reshape(N2, ROW)[:, :K],
         oy.reshape(N2, ROW)[:, :K],
         oz.reshape(N2, ROW)[:, :K]], axis=-1)
    return mapping.reshape(b, N2, K), outputs.reshape(b, N2, K, 3)

# --- scband reference (transcript-rebuilt; emitter-appended) ---
"""Pipeline reference for scband-bqwarp-79714593013902 (READ-ONLY COPY).

The authoritative reference and input builder live on the scoring server;
editing this copy changes nothing except your own understanding.
"""

import jax, jax.numpy as jnp
import numpy as np

GRID = (32, 16, 16)
RADIUS = 0.25
K = 10


def setup_inputs(seed: int = 0) -> dict:
    key = jax.random.key(seed)
    k1, k2 = jax.random.split(key)
    x = jax.random.uniform(k1, (1, 8192, 3), dtype=jnp.float32)
    p_grid = jax.random.uniform(k2, (1, GRID[0], GRID[1], GRID[2], 3), dtype=jnp.float32)
    return {"x": x, "p_grid": p_grid}


def _ball_query(p1, p2, k, radius):
    # p1: [B, N1, 3] query points; p2: [B, N2, 3] reference points
    B, N1, _ = p1.shape
    N2 = p2.shape[1]
    # pairwise squared distances [B, N1, N2]
    d2 = jnp.sum((p1[:, :, None, :] - p2[:, None, :, :]) ** 2, axis=-1)
    within = d2 <= (radius * radius)
    # pick the first-k (by index order) neighbors within radius, like ball query
    idx = jnp.arange(N2, dtype=jnp.int32)
    sort_key = jnp.where(within, idx[None, None, :], jnp.int32(N2))
    order = jnp.argsort(sort_key, axis=-1)[:, :, :k]  # [B, N1, k]
    valid = jnp.take_along_axis(within, order, axis=-1)  # [B, N1, k]
    mapping = jnp.where(valid, order, 0).astype(jnp.int32)
    num_neighbors = jnp.minimum(jnp.sum(within, axis=-1), k).astype(jnp.int32)
    # gather neighbor coordinates from p2
    b_idx = jnp.arange(B)[:, None, None]
    gathered = p2[b_idx, mapping, :]  # [B, N1, k, 3]
    outputs = jnp.where(valid[..., None], gathered, 0.0)
    return mapping, num_neighbors, outputs


def reference(x, p_grid):
    batch_size = x.shape[0]
    nx, ny, nz = GRID
    p_grid_flat = jnp.reshape(p_grid, (batch_size, nx * ny * nz, 3))
    # reverse_mapping=True path: query=grid points, reference=x
    mapping, num_neighbors, outputs = _ball_query(p_grid_flat, x, K, RADIUS)
    return (mapping, outputs)

if __name__ == "__main__":
    import jax
    _d = setup_inputs()
    print(jax.jit(kernel)(*tuple(_d.values())))

</pallas_src>

<mosaic_0001>
#map = affine_map<(d0, d1) -> (0)>
module attributes {stable_mosaic.version = 14 : i64} {
  func.func @_sc_body(%arg0: i32, %arg1: i32, %arg2: memref<8192xf32, #tpu.memory_space<hbm>>, %arg3: memref<8192xf32, #tpu.memory_space<hbm>>, %arg4: memref<8192xf32, #tpu.memory_space<hbm>>, %arg5: memref<8192xf32, #tpu.memory_space<hbm>>, %arg6: memref<8192xf32, #tpu.memory_space<hbm>>, %arg7: memref<8192xf32, #tpu.memory_space<hbm>>, %arg8: memref<131072xi32, #tpu.memory_space<hbm>>, %arg9: memref<131072xf32, #tpu.memory_space<hbm>>, %arg10: memref<131072xf32, #tpu.memory_space<hbm>>, %arg11: memref<131072xf32, #tpu.memory_space<hbm>>, %arg12: memref<8192xf32, #tpu.memory_space<vmem>>, %arg13: memref<8192xf32, #tpu.memory_space<vmem>>, %arg14: memref<8192xf32, #tpu.memory_space<vmem>>, %arg15: memref<256xf32, #tpu.memory_space<vmem>>, %arg16: memref<256xf32, #tpu.memory_space<vmem>>, %arg17: memref<256xf32, #tpu.memory_space<vmem>>, %arg18: memref<4096xi32, #tpu.memory_space<vmem>>, %arg19: memref<4096xf32, #tpu.memory_space<vmem>>, %arg20: memref<4096xf32, #tpu.memory_space<vmem>>, %arg21: memref<4096xf32, #tpu.memory_space<vmem>>) attributes {dimension_semantics = [#tpu.dimension_semantics<core_parallel>, #tpu.dimension_semantics<subcore_parallel>], iteration_bounds = array<i64: 2, 16>, scalar_prefetch = 0 : i64, scratch_operands = 10 : i64, tpu.core_type = #tpu.core_type<sc_vector_subcore>, window_params = [{transform_indices = #map}, {transform_indices = #map}, {transform_indices = #map}, {transform_indices = #map}, {transform_indices = #map}, {transform_indices = #map}, {transform_indices = #map}, {transform_indices = #map}, {transform_indices = #map}, {transform_indices = #map}]} {
    %mul3A = arith.constant 2 : i32
    %mul3A_0 = arith.muli %arg1, %mul3A : i32
    %add3A = arith.addi %mul3A_0, %arg0 : i32
    %mul3A_1 = arith.constant 256 : i32
    %mul3A_2 = arith.muli %add3A, %mul3A_1 : i32
    "tpu.region"() ({
      %run_scoped3A = tpu.sem_alloc : memref<!tpu.dma_semaphore, #tpu.memory_space<semaphore_mem>>
      tpu.enqueue_dma source(%arg2 : memref<8192xf32, #tpu.memory_space<hbm>>) target(%arg12 : memref<8192xf32, #tpu.memory_space<vmem>>) target_semaphore(%run_scoped3A : memref<!tpu.dma_semaphore, #tpu.memory_space<semaphore_mem>>)
      tpu.wait_dma2 semaphore(%run_scoped3A : memref<!tpu.dma_semaphore, #tpu.memory_space<semaphore_mem>>) src(%arg2 : memref<8192xf32, #tpu.memory_space<hbm>>) dst(%arg12 : memref<8192xf32, #tpu.memory_space<vmem>>)
      tpu.yield
    }) : () -> ()
    "tpu.region"() ({
      %run_scoped3A = tpu.sem_alloc : memref<!tpu.dma_semaphore, #tpu.memory_space<semaphore_mem>>
      tpu.enqueue_dma source(%arg3 : memref<8192xf32, #tpu.memory_space<hbm>>) target(%arg13 : memref<8192xf32, #tpu.memory_space<vmem>>) target_semaphore(%run_scoped3A : memref<!tpu.dma_semaphore, #tpu.memory_space<semaphore_mem>>)
      tpu.wait_dma2 semaphore(%run_scoped3A : memref<!tpu.dma_semaphore, #tpu.memory_space<semaphore_mem>>) src(%arg3 : memref<8192xf32, #tpu.memory_space<hbm>>) dst(%arg13 : memref<8192xf32, #tpu.memory_space<vmem>>)
      tpu.yield
    }) : () -> ()
    "tpu.region"() ({
      %run_scoped3A = tpu.sem_alloc : memref<!tpu.dma_semaphore, #tpu.memory_space<semaphore_mem>>
      tpu.enqueue_dma source(%arg4 : memref<8192xf32, #tpu.memory_space<hbm>>) target(%arg14 : memref<8192xf32, #tpu.memory_space<vmem>>) target_semaphore(%run_scoped3A : memref<!tpu.dma_semaphore, #tpu.memory_space<semaphore_mem>>)
      tpu.wait_dma2 semaphore(%run_scoped3A : memref<!tpu.dma_semaphore, #tpu.memory_space<semaphore_mem>>) src(%arg4 : memref<8192xf32, #tpu.memory_space<hbm>>) dst(%arg14 : memref<8192xf32, #tpu.memory_space<vmem>>)
      tpu.yield
    }) : () -> ()
    "tpu.region"() ({
      %run_scoped3A = tpu.sem_alloc : memref<!tpu.dma_semaphore, #tpu.memory_space<semaphore_mem>>
      %dma_start3A = tpu.memref_slice %arg5[%mul3A_2] : memref<8192xf32, #tpu.memory_space<hbm>> -> memref<256xf32, #tpu.memory_space<hbm>>
      %dma_start3A_27 = tpu.memref_slice %arg5[%mul3A_2] : memref<8192xf32, #tpu.memory_space<hbm>> -> memref<256xf32, #tpu.memory_space<hbm>>
      tpu.enqueue_dma source(%dma_start3A_27 : memref<256xf32, #tpu.memory_space<hbm>>) target(%arg15 : memref<256xf32, #tpu.memory_space<vmem>>) target_semaphore(%run_scoped3A : memref<!tpu.dma_semaphore, #tpu.memory_space<semaphore_mem>>)
      %dma_wait3A = tpu.memref_slice %arg5[%mul3A_2] : memref<8192xf32, #tpu.memory_space<hbm>> -> memref<256xf32, #tpu.memory_space<hbm>>
      %dma_wait3A_28 = tpu.memref_slice %arg5[%mul3A_2] : memref<8192xf32, #tpu.memory_space<hbm>> -> memref<256xf32, #tpu.memory_space<hbm>>
      tpu.wait_dma2 semaphore(%run_scoped3A : memref<!tpu.dma_semaphore, #tpu.memory_space<semaphore_mem>>) src(%dma_wait3A_28 : memref<256xf32, #tpu.memory_space<hbm>>) dst(%arg15 : memref<256xf32, #tpu.memory_space<vmem>>)
      tpu.yield
    }) : () -> ()
    "tpu.region"() ({
      %run_scoped3A = tpu.sem_alloc : memref<!tpu.dma_semaphore, #tpu.memory_space<semaphore_mem>>
      %dma_start3A = tpu.memref_slice %arg6[%mul3A_2] : memref<8192xf32, #tpu.memory_space<hbm>> -> memref<256xf32, #tpu.memory_space<hbm>>
      %dma_start3A_27 = tpu.memref_slice %arg6[%mul3A_2] : memref<8192xf32, #tpu.memory_space<hbm>> -> memref<256xf32, #tpu.memory_space<hbm>>
      tpu.enqueue_dma source(%dma_start3A_27 : memref<256xf32, #tpu.memory_space<hbm>>) target(%arg16 : memref<256xf32, #tpu.memory_space<vmem>>) target_semaphore(%run_scoped3A : memref<!tpu.dma_semaphore, #tpu.memory_space<semaphore_mem>>)
      %dma_wait3A = tpu.memref_slice %arg6[%mul3A_2] : memref<8192xf32, #tpu.memory_space<hbm>> -> memref<256xf32, #tpu.memory_space<hbm>>
      %dma_wait3A_28 = tpu.memref_slice %arg6[%mul3A_2] : memref<8192xf32, #tpu.memory_space<hbm>> -> memref<256xf32, #tpu.memory_space<hbm>>
      tpu.wait_dma2 semaphore(%run_scoped3A : memref<!tpu.dma_semaphore, #tpu.memory_space<semaphore_mem>>) src(%dma_wait3A_28 : memref<256xf32, #tpu.memory_space<hbm>>) dst(%arg16 : memref<256xf32, #tpu.memory_space<vmem>>)
      tpu.yield
    }) : () -> ()
    "tpu.region"() ({
      %run_scoped3A = tpu.sem_alloc : memref<!tpu.dma_semaphore, #tpu.memory_space<semaphore_mem>>
      %dma_start3A = tpu.memref_slice %arg7[%mul3A_2] : memref<8192xf32, #tpu.memory_space<hbm>> -> memref<256xf32, #tpu.memory_space<hbm>>
      %dma_start3A_27 = tpu.memref_slice %arg7[%mul3A_2] : memref<8192xf32, #tpu.memory_space<hbm>> -> memref<256xf32, #tpu.memory_space<hbm>>
      tpu.enqueue_dma source(%dma_start3A_27 : memref<256xf32, #tpu.memory_space<hbm>>) target(%arg17 : memref<256xf32, #tpu.memory_space<vmem>>) target_semaphore(%run_scoped3A : memref<!tpu.dma_semaphore, #tpu.memory_space<semaphore_mem>>)
      %dma_wait3A = tpu.memref_slice %arg7[%mul3A_2] : memref<8192xf32, #tpu.memory_space<hbm>> -> memref<256xf32, #tpu.memory_space<hbm>>
      %dma_wait3A_28 = tpu.memref_slice %arg7[%mul3A_2] : memref<8192xf32, #tpu.memory_space<hbm>> -> memref<256xf32, #tpu.memory_space<hbm>>
      tpu.wait_dma2 semaphore(%run_scoped3A : memref<!tpu.dma_semaphore, #tpu.memory_space<semaphore_mem>>) src(%dma_wait3A_28 : memref<256xf32, #tpu.memory_space<hbm>>) dst(%arg17 : memref<256xf32, #tpu.memory_space<vmem>>)
      tpu.yield
    }) : () -> ()
    %broadcast_in_dim3A = arith.constant 0 : i32
    %broadcast_in_dim3A_3 = vector.broadcast %broadcast_in_dim3A : i32 to vector<16xi32>
    %broadcast_in_dim3A_4 = arith.constant 0.000000e+00 : f32
    %broadcast_in_dim3A_5 = vector.broadcast %broadcast_in_dim3A_4 : f32 to vector<16xf32>
    %scan3A = arith.constant 0 : i32
    %scan3A_6 = arith.constant 0 : i32
    %scan3A_7 = arith.constant 256 : i32
    %scan3A_8 = arith.addi %scan3A_6, %scan3A_7 : i32
    %scan3A_9 = arith.constant 1 : i32
    %scan3A_10 = scf.for %scan3A_27 = %scan3A_6 to %scan3A_8 step %scan3A_9 iter_args(%scan3A_28 = %scan3A) -> (i32)  : i32 {
      %mul3A_29 = arith.constant 16 : i32
      %mul3A_30 = arith.muli %scan3A_27, %mul3A_29 : i32
      %swap3A = arith.index_cast %mul3A_30 : i32 to index
      %swap3A_31 = tpu.vector_load %arg18[%swap3A] {strides = array<i32>} : memref<4096xi32, #tpu.memory_space<vmem>>, vector<16xi32>,
      tpu.vector_store %arg18[%swap3A], %broadcast_in_dim3A_3 {strides = array<i32>} : memref<4096xi32, #tpu.memory_space<vmem>>, vector<16xi32>,
      %mul3A_32 = arith.constant 16 : i32
      %mul3A_33 = arith.muli %scan3A_27, %mul3A_32 : i32
      %swap3A_34 = arith.index_cast %mul3A_33 : i32 to index
      %swap3A_35 = tpu.vector_load %arg19[%swap3A_34] {strides = array<i32>} : memref<4096xf32, #tpu.memory_space<vmem>>, vector<16xf32>,
      tpu.vector_store %arg19[%swap3A_34], %broadcast_in_dim3A_5 {strides = array<i32>} : memref<4096xf32, #tpu.memory_space<vmem>>, vector<16xf32>,
      %mul3A_36 = arith.constant 16 : i32
      %mul3A_37 = arith.muli %scan3A_27, %mul3A_36 : i32
      %swap3A_38 = arith.index_cast %mul3A_37 : i32 to index
      %swap3A_39 = tpu.vector_load %arg20[%swap3A_38] {strides = array<i32>} : memref<4096xf32, #tpu.memory_space<vmem>>, vector<16xf32>,
      tpu.vector_store %arg20[%swap3A_38], %broadcast_in_dim3A_5 {strides = array<i32>} : memref<4096xf32, #tpu.memory_space<vmem>>, vector<16xf32>,
      %mul3A_40 = arith.constant 16 : i32
      %mul3A_41 = arith.muli %scan3A_27, %mul3A_40 : i32
      %swap3A_42 = arith.index_cast %mul3A_41 : i32 to index
      %swap3A_43 = tpu.vector_load %arg21[%swap3A_42] {strides = array<i32>} : memref<4096xf32, #tpu.memory_space<vmem>>, vector<16xf32>,
      tpu.vector_store %arg21[%swap3A_42], %broadcast_in_dim3A_5 {strides = array<i32>} : memref<4096xf32, #tpu.memory_space<vmem>>, vector<16xf32>,
      %scan3A_44 = arith.constant 0 : i32
      scf.yield %scan3A_44 : i32
    }
    %scan3A_11 = arith.constant 256 : i32
    %iota3A = tpu.iota {dimensions = array<i32: 0>} : vector<16xi32>
    %scan3A_12 = arith.constant 0 : i32
    %scan3A_13 = arith.constant 0 : i32
    %scan3A_14 = arith.constant 16 : i32
    %scan3A_15 = arith.addi %scan3A_13, %scan3A_14 : i32
    %scan3A_16 = arith.constant 1 : i32
    %scan3A_17 = scf.for %scan3A_27 = %scan3A_13 to %scan3A_15 step %scan3A_16 iter_args(%scan3A_28 = %scan3A_12) -> (i32)  : i32 {
      %mul3A_29 = arith.constant 16 : i32
      %mul3A_30 = arith.muli %scan3A_27, %mul3A_29 : i32
      %get3A = arith.index_cast %mul3A_30 : i32 to index
      %get3A_31 = tpu.vector_load %arg15[%get3A] {strides = array<i32>} : memref<256xf32, #tpu.memory_space<vmem>>, vector<16xf32>,
      %mul3A_32 = arith.constant 16 : i32
      %mul3A_33 = arith.muli %scan3A_27, %mul3A_32 : i32
      %get3A_34 = arith.index_cast %mul3A_33 : i32 to index
      %get3A_35 = tpu.vector_load %arg16[%get3A_34] {strides = array<i32>} : memref<256xf32, #tpu.memory_space<vmem>>, vector<16xf32>,
      %mul3A_36 = arith.constant 16 : i32
      %mul3A_37 = arith.muli %scan3A_27, %mul3A_36 : i32
      %get3A_38 = arith.index_cast %mul3A_37 : i32 to index
      %get3A_39 = tpu.vector_load %arg17[%get3A_38] {strides = array<i32>} : memref<256xf32, #tpu.memory_space<vmem>>, vector<16xf32>,
      %slice3A = vector.extract_strided_slice %get3A_31 {offsets = [0], sizes = [1], strides = [1]} : vector<16xf32> to vector<1xf32>
      %squeeze3A = vector.extract %slice3A[0] : f32 from vector<1xf32>
      %slice3A_40 = vector.extract_strided_slice %get3A_35 {offsets = [0], sizes = [1], strides = [1]} : vector<16xf32> to vector<1xf32>
      %squeeze3A_41 = vector.extract %slice3A_40[0] : f32 from vector<1xf32>
      %slice3A_42 = vector.extract_strided_slice %get3A_39 {offsets = [0], sizes = [1], strides = [1]} : vector<16xf32> to vector<1xf32>
      %squeeze3A_43 = vector.extract %slice3A_42[0] : f32 from vector<1xf32>
      %slice3A_44 = vector.extract_strided_slice %get3A_31 {offsets = [1], sizes = [1], strides = [1]} : vector<16xf32> to vector<1xf32>
      %squeeze3A_45 = vector.extract %slice3A_44[0] : f32 from vector<1xf32>
      %slice3A_46 = vector.extract_strided_slice %get3A_35 {offsets = [1], sizes = [1], strides = [1]} : vector<16xf32> to vector<1xf32>
      %squeeze3A_47 = vector.extract %slice3A_46[0] : f32 from vector<1xf32>
      %slice3A_48 = vector.extract_strided_slice %get3A_39 {offsets = [1], sizes = [1], strides = [1]} : vector<16xf32> to vector<1xf32>
      %squeeze3A_49 = vector.extract %slice3A_48[0] : f32 from vector<1xf32>
      %slice3A_50 = vector.extract_strided_slice %get3A_31 {offsets = [2], sizes = [1], strides = [1]} : vector<16xf32> to vector<1xf32>
      %squeeze3A_51 = vector.extract %slice3A_50[0] : f32 from vector<1xf32>
      %slice3A_52 = vector.extract_strided_slice %get3A_35 {offsets = [2], sizes = [1], strides = [1]} : vector<16xf32> to vector<1xf32>
      %squeeze3A_53 = vector.extract %slice3A_52[0] : f32 from vector<1xf32>
      %slice3A_54 = vector.extract_strided_slice %get3A_39 {offsets = [2], sizes = [1], strides = [1]} : vector<16xf32> to vector<1xf32>
      %squeeze3A_55 = vector.extract %slice3A_54[0] : f32 from vector<1xf32>
      %slice3A_56 = vector.extract_strided_slice %get3A_31 {offsets = [3], sizes = [1], strides = [1]} : vector<16xf32> to vector<1xf32>
      %squeeze3A_57 = vector.extract %slice3A_56[0] : f32 from vector<1xf32>
      %slice3A_58 = vector.extract_strided_slice %get3A_35 {offsets = [3], sizes = [1], strides = [1]} : vector<16xf32> to vector<1xf32>
      %squeeze3A_59 = vector.extract %slice3A_58[0] : f32 from vector<1xf32>
      %slice3A_60 = vector.extract_strided_slice %get3A_39 {offsets = [3], sizes = [1], strides = [1]} : vector<16xf32> to vector<1xf32>
      %squeeze3A_61 = vector.extract %slice3A_60[0] : f32 from vector<1xf32>
      %while3A = arith.constant 0 : i32
      %while3A_62 = arith.constant 0 : i32
      %while3A_63 = arith.constant 0 : i32
      %while3A_64 = arith.constant 0 : i32
      %while3A_65 = arith.constant 0 : i32
      %while3A_66:5 = scf.while (%while3A_158 = %while3A, %while3A_159 = %while3A_62, %while3A_160 = %while3A_63, %while3A_161 = %while3A_64, %while3A_162 = %while3A_65) : (i32, i32, i32, i32, i32) -> (i32, i32, i32, i32, i32) {
        %lt3A = arith.constant 10 : i32
        %lt3A_163 = arith.cmpi slt, %while3A_159, %lt3A : i32
        %lt3A_164 = arith.constant 10 : i32
        %lt3A_165 = arith.cmpi slt, %while3A_160, %lt3A_164 : i32
        %or3A = arith.ori %lt3A_163, %lt3A_165 : i1
        %lt3A_166 = arith.constant 10 : i32
        %lt3A_167 = arith.cmpi slt, %while3A_161, %lt3A_166 : i32
        %or3A_168 = arith.ori %or3A, %lt3A_167 : i1
        %lt3A_169 = arith.constant 10 : i32
        %lt3A_170 = arith.cmpi slt, %while3A_162, %lt3A_169 : i32
        %or3A_171 = arith.ori %or3A_168, %lt3A_170 : i1
        %lt3A_172 = arith.constant 8192 : i32
        %lt3A_173 = arith.cmpi slt, %while3A_158, %lt3A_172 : i32
        %and3A = arith.andi %lt3A_173, %or3A_171 : i1
        scf.condition(%and3A) %while3A_158, %while3A_159, %while3A_160, %while3A_161, %while3A_162 : i32, i32, i32, i32, i32
      } do {
      ^bb0(%while3A_158: i32, %while3A_159: i32, %while3A_160: i32, %while3A_161: i32, %while3A_162: i32):
        %get3A_163 = arith.index_cast %while3A_158 : i32 to index
        %get3A_164 = tpu.vector_load %arg12[%get3A_163] {strides = array<i32>} : memref<8192xf32, #tpu.memory_space<vmem>>, vector<16xf32>,
        %get3A_165 = arith.index_cast %while3A_158 : i32 to index
        %get3A_166 = tpu.vector_load %arg13[%get3A_165] {strides = array<i32>} : memref<8192xf32, #tpu.memory_space<vmem>>, vector<16xf32>,
        %get3A_167 = arith.index_cast %while3A_158 : i32 to index
        %get3A_168 = tpu.vector_load %arg14[%get3A_167] {strides = array<i32>} : memref<8192xf32, #tpu.memory_space<vmem>>, vector<16xf32>,
        %add3A_169 = vector.broadcast %while3A_158 : i32 to vector<16xi32>
        %add3A_170 = arith.addi %add3A_169, %iota3A : vector<16xi32>
        %mul3A_171 = arith.constant 16 : i32
        %mul3A_172 = arith.muli %scan3A_27, %mul3A_171 : i32
        %add3A_173 = arith.constant 0 : i32
        %add3A_174 = arith.addi %mul3A_172, %add3A_173 : i32
        %add3A_175 = arith.constant 0 : i32
        %add3A_176 = arith.addi %add3A_174, %add3A_175 : i32
        %sub3A = vector.broadcast %squeeze3A : f32 to vector<16xf32>
        %sub3A_177 = arith.subf %get3A_164, %sub3A : vector<16xf32>
        %sub3A_178 = vector.broadcast %squeeze3A_41 : f32 to vector<16xf32>
        %sub3A_179 = arith.subf %get3A_166, %sub3A_178 : vector<16xf32>
        %sub3A_180 = vector.broadcast %squeeze3A_43 : f32 to vector<16xf32>
        %sub3A_181 = arith.subf %get3A_168, %sub3A_180 : vector<16xf32>
        %mul3A_182 = arith.mulf %sub3A_177, %sub3A_177 : vector<16xf32>
        %mul3A_183 = arith.mulf %sub3A_179, %sub3A_179 : vector<16xf32>
        %add3A_184 = arith.addf %mul3A_182, %mul3A_183 : vector<16xf32>
        %mul3A_185 = arith.mulf %sub3A_181, %sub3A_181 : vector<16xf32>
        %add3A_186 = arith.addf %add3A_184, %mul3A_185 : vector<16xf32>
        %le3A = arith.constant 6.250000e-02 : f32
        %le3A_187 = vector.broadcast %le3A : f32 to vector<16xf32>
        %le3A_188 = arith.cmpf ole, %add3A_186, %le3A_187 : vector<16xf32>
        %convert_element_type3A = arith.extui %le3A_188 : vector<16xi1> to vector<16xi32>
        %broadcast_in_dim3A_189 = arith.constant true
        %broadcast_in_dim3A_190 = vector.broadcast %broadcast_in_dim3A_189 : i1 to vector<16xi1>
        %masked_cumsum3A = tpu.scan <sum>, %convert_element_type3A masked %broadcast_in_dim3A_190 : vector<16xi32>, vector<16xi1> -> vector<16xi32>
        %sub3A_191 = arith.subi %masked_cumsum3A, %convert_element_type3A : vector<16xi32>
        %all_reduce_population_count3A = tpu.all_reduce %le3A_188 {dim = 0 : i64, kind = #tpu.reduction_kind<sum>} : vector<16xi1> -> vector<16xi32>
        %add3A_192 = vector.broadcast %while3A_159 : i32 to vector<16xi32>
        %add3A_193 = arith.addi %sub3A_191, %add3A_192 : vector<16xi32>
        %lt3A = arith.constant 10 : i32
        %lt3A_194 = vector.broadcast %lt3A : i32 to vector<16xi32>
        %lt3A_195 = arith.cmpi slt, %add3A_193, %lt3A_194 : vector<16xi32>
        %and3A = arith.andi %le3A_188, %lt3A_195 : vector<16xi1>
        %mul3A_196 = arith.constant 16 : i32
        %mul3A_197 = arith.muli %add3A_176, %mul3A_196 : i32
        %add3A_198 = vector.broadcast %mul3A_197 : i32 to vector<16xi32>
        %add3A_199 = arith.addi %add3A_198, %add3A_193 : vector<16xi32>
        tpu.vector_store_idx %arg18[%add3A_199], %add3A_170 masked %and3A : memref<4096xi32, #tpu.memory_space<vmem>>[vector<16xi32>], vector<16xi32>, vector<16xi1>
        tpu.vector_store_idx %arg19[%add3A_199], %get3A_164 masked %and3A : memref<4096xf32, #tpu.memory_space<vmem>>[vector<16xi32>], vector<16xf32>, vector<16xi1>
        tpu.vector_store_idx %arg20[%add3A_199], %get3A_166 masked %and3A : memref<4096xf32, #tpu.memory_space<vmem>>[vector<16xi32>], vector<16xf32>, vector<16xi1>
        tpu.vector_store_idx %arg21[%add3A_199], %get3A_168 masked %and3A : memref<4096xf32, #tpu.memory_space<vmem>>[vector<16xi32>], vector<16xf32>, vector<16xi1>
        %slice3A_200 = vector.extract_strided_slice %all_reduce_population_count3A {offsets = [0], sizes = [1], strides = [1]} : vector<16xi32> to vector<1xi32>
        %squeeze3A_201 = vector.extract %slice3A_200[0] : i32 from vector<1xi32>
        %add3A_202 = arith.addi %while3A_159, %squeeze3A_201 : i32
        %mul3A_203 = arith.constant 16 : i32
        %mul3A_204 = arith.muli %scan3A_27, %mul3A_203 : i32
        %add3A_205 = arith.constant 0 : i32
        %add3A_206 = arith.addi %mul3A_204, %add3A_205 : i32
        %add3A_207 = arith.constant 1 : i32
        %add3A_208 = arith.addi %add3A_206, %add3A_207 : i32
        %sub3A_209 = vector.broadcast %squeeze3A_45 : f32 to vector<16xf32>
        %sub3A_210 = arith.subf %get3A_164, %sub3A_209 : vector<16xf32>
        %sub3A_211 = vector.broadcast %squeeze3A_47 : f32 to vector<16xf32>
        %sub3A_212 = arith.subf %get3A_166, %sub3A_211 : vector<16xf32>
        %sub3A_213 = vector.broadcast %squeeze3A_49 : f32 to vector<16xf32>
        %sub3A_214 = arith.subf %get3A_168, %sub3A_213 : vector<16xf32>
        %mul3A_215 = arith.mulf %sub3A_210, %sub3A_210 : vector<16xf32>
        %mul3A_216 = arith.mulf %sub3A_212, %sub3A_212 : vector<16xf32>
        %add3A_217 = arith.addf %mul3A_215, %mul3A_216 : vector<16xf32>
        %mul3A_218 = arith.mulf %sub3A_214, %sub3A_214 : vector<16xf32>
        %add3A_219 = arith.addf %add3A_217, %mul3A_218 : vector<16xf32>
        %le3A_220 = arith.constant 6.250000e-02 : f32
        %le3A_221 = vector.broadcast %le3A_220 : f32 to vector<16xf32>
        %le3A_222 = arith.cmpf ole, %add3A_219, %le3A_221 : vector<16xf32>
        %convert_element_type3A_223 = arith.extui %le3A_222 : vector<16xi1> to vector<16xi32>
        %broadcast_in_dim3A_224 = arith.constant true
        %broadcast_in_dim3A_225 = vector.broadcast %broadcast_in_dim3A_224 : i1 to vector<16xi1>
        %masked_cumsum3A_226 = tpu.scan <sum>, %convert_element_type3A_223 masked %broadcast_in_dim3A_225 : vector<16xi32>, vector<16xi1> -> vector<16xi32>
        %sub3A_227 = arith.subi %masked_cumsum3A_226, %convert_element_type3A_223 : vector<16xi32>
        %all_reduce_population_count3A_228 = tpu.all_reduce %le3A_222 {dim = 0 : i64, kind = #tpu.reduction_kind<sum>} : vector<16xi1> -> vector<16xi32>
        %add3A_229 = vector.broadcast %while3A_160 : i32 to vector<16xi32>
        %add3A_230 = arith.addi %sub3A_227, %add3A_229 : vector<16xi32>
        %lt3A_231 = arith.constant 10 : i32
        %lt3A_232 = vector.broadcast %lt3A_231 : i32 to vector<16xi32>
        %lt3A_233 = arith.cmpi slt, %add3A_230, %lt3A_232 : vector<16xi32>
        %and3A_234 = arith.andi %le3A_222, %lt3A_233 : vector<16xi1>
        %mul3A_235 = arith.constant 16 : i32
        %mul3A_236 = arith.muli %add3A_208, %mul3A_235 : i32
        %add3A_237 = vector.broadcast %mul3A_236 : i32 to vector<16xi32>
        %add3A_238 = arith.addi %add3A_237, %add3A_230 : vector<16xi32>
        tpu.vector_store_idx %arg18[%add3A_238], %add3A_170 masked %and3A_234 : memref<4096xi32, #tpu.memory_space<vmem>>[vector<16xi32>], vector<16xi32>, vector<16xi1>
        tpu.vector_store_idx %arg19[%add3A_238], %get3A_164 masked %and3A_234 : memref<4096xf32, #tpu.memory_space<vmem>>[vector<16xi32>], vector<16xf32>, vector<16xi1>
        tpu.vector_store_idx %arg20[%add3A_238], %get3A_166 masked %and3A_234 : memref<4096xf32, #tpu.memory_space<vmem>>[vector<16xi32>], vector<16xf32>, vector<16xi1>
        tpu.vector_store_idx %arg21[%add3A_238], %get3A_168 masked %and3A_234 : memref<4096xf32, #tpu.memory_space<vmem>>[vector<16xi32>], vector<16xf32>, vector<16xi1>
        %slice3A_239 = vector.extract_strided_slice %all_reduce_population_count3A_228 {offsets = [0], sizes = [1], strides = [1]} : vector<16xi32> to vector<1xi32>
        %squeeze3A_240 = vector.extract %slice3A_239[0] : i32 from vector<1xi32>
        %add3A_241 = arith.addi %while3A_160, %squeeze3A_240 : i32
        %mul3A_242 = arith.constant 16 : i32
        %mul3A_243 = arith.muli %scan3A_27, %mul3A_242 : i32
        %add3A_244 = arith.constant 0 : i32
        %add3A_245 = arith.addi %mul3A_243, %add3A_244 : i32
        %add3A_246 = arith.constant 2 : i32
        %add3A_247 = arith.addi %add3A_245, %add3A_246 : i32
        %sub3A_248 = vector.broadcast %squeeze3A_51 : f32 to vector<16xf32>
        %sub3A_249 = arith.subf %get3A_164, %sub3A_248 : vector<16xf32>
        %sub3A_250 = vector.broadcast %squeeze3A_53 : f32 to vector<16xf32>
        %sub3A_251 = arith.subf %get3A_166, %sub3A_250 : vector<16xf32>
        %sub3A_252 = vector.broadcast %squeeze3A_55 : f32 to vector<16xf32>
        %sub3A_253 = arith.subf %get3A_168, %sub3A_252 : vector<16xf32>
        %mul3A_254 = arith.mulf %sub3A_249, %sub3A_249 : vector<16xf32>
        %mul3A_255 = arith.mulf %sub3A_251, %sub3A_251 : vector<16xf32>
        %add3A_256 = arith.addf %mul3A_254, %mul3A_255 : vector<16xf32>
        %mul3A_257 = arith.mulf %sub3A_253, %sub3A_253 : vector<16xf32>
        %add3A_258 = arith.addf %add3A_256, %mul3A_257 : vector<16xf32>
        %le3A_259 = arith.constant 6.250000e-02 : f32
        %le3A_260 = vector.broadcast %le3A_259 : f32 to vector<16xf32>
        %le3A_261 = arith.cmpf ole, %add3A_258, %le3A_260 : vector<16xf32>
        %convert_element_type3A_262 = arith.extui %le3A_261 : vector<16xi1> to vector<16xi32>
        %broadcast_in_dim3A_263 = arith.constant true
        %broadcast_in_dim3A_264 = vector.broadcast %broadcast_in_dim3A_263 : i1 to vector<16xi1>
        %masked_cumsum3A_265 = tpu.scan <sum>, %convert_element_type3A_262 masked %broadcast_in_dim3A_264 : vector<16xi32>, vector<16xi1> -> vector<16xi32>
        %sub3A_266 = arith.subi %masked_cumsum3A_265, %convert_element_type3A_262 : vector<16xi32>
        %all_reduce_population_count3A_267 = tpu.all_reduce %le3A_261 {dim = 0 : i64, kind = #tpu.reduction_kind<sum>} : vector<16xi1> -> vector<16xi32>
        %add3A_268 = vector.broadcast %while3A_161 : i32 to vector<16xi32>
        %add3A_269 = arith.addi %sub3A_266, %add3A_268 : vector<16xi32>
        %lt3A_270 = arith.constant 10 : i32
        %lt3A_271 = vector.broadcast %lt3A_270 : i32 to vector<16xi32>
        %lt3A_272 = arith.cmpi slt, %add3A_269, %lt3A_271 : vector<16xi32>
        %and3A_273 = arith.andi %le3A_261, %lt3A_272 : vector<16xi1>
        %mul3A_274 = arith.constant 16 : i32
        %mul3A_275 = arith.muli %add3A_247, %mul3A_274 : i32
        %add3A_276 = vector.broadcast %mul3A_275 : i32 to vector<16xi32>
        %add3A_277 = arith.addi %add3A_276, %add3A_269 : vector<16xi32>
        tpu.vector_store_idx %arg18[%add3A_277], %add3A_170 masked %and3A_273 : memref<4096xi32, #tpu.memory_space<vmem>>[vector<16xi32>], vector<16xi32>, vector<16xi1>
        tpu.vector_store_idx %arg19[%add3A_277], %get3A_164 masked %and3A_273 : memref<4096xf32, #tpu.memory_space<vmem>>[vector<16xi32>], vector<16xf32>, vector<16xi1>
        tpu.vector_store_idx %arg20[%add3A_277], %get3A_166 masked %and3A_273 : memref<4096xf32, #tpu.memory_space<vmem>>[vector<16xi32>], vector<16xf32>, vector<16xi1>
        tpu.vector_store_idx %arg21[%add3A_277], %get3A_168 masked %and3A_273 : memref<4096xf32, #tpu.memory_space<vmem>>[vector<16xi32>], vector<16xf32>, vector<16xi1>
        %slice3A_278 = vector.extract_strided_slice %all_reduce_population_count3A_267 {offsets = [0], sizes = [1], strides = [1]} : vector<16xi32> to vector<1xi32>
        %squeeze3A_279 = vector.extract %slice3A_278[0] : i32 from vector<1xi32>
        %add3A_280 = arith.addi %while3A_161, %squeeze3A_279 : i32
        %mul3A_281 = arith.constant 16 : i32
        %mul3A_282 = arith.muli %scan3A_27, %mul3A_281 : i32
        %add3A_283 = arith.constant 0 : i32
        %add3A_284 = arith.addi %mul3A_282, %add3A_283 : i32
        %add3A_285 = arith.constant 3 : i32
        %add3A_286 = arith.addi %add3A_284, %add3A_285 : i32
        %sub3A_287 = vector.broadcast %squeeze3A_57 : f32 to vector<16xf32>
        %sub3A_288 = arith.subf %get3A_164, %sub3A_287 : vector<16xf32>
        %sub3A_289 = vector.broadcast %squeeze3A_59 : f32 to vector<16xf32>
        %sub3A_290 = arith.subf %get3A_166, %sub3A_289 : vector<16xf32>
        %sub3A_291 = vector.broadcast %squeeze3A_61 : f32 to vector<16xf32>
        %sub3A_292 = arith.subf %get3A_168, %sub3A_291 : vector<16xf32>
        %mul3A_293 = arith.mulf %sub3A_288, %sub3A_288 : vector<16xf32>
        %mul3A_294 = arith.mulf %sub3A_290, %sub3A_290 : vector<16xf32>
        %add3A_295 = arith.addf %mul3A_293, %mul3A_294 : vector<16xf32>
        %mul3A_296 = arith.mulf %sub3A_292, %sub3A_292 : vector<16xf32>
        %add3A_297 = arith.addf %add3A_295, %mul3A_296 : vector<16xf32>
        %le3A_298 = arith.constant 6.250000e-02 : f32
        %le3A_299 = vector.broadcast %le3A_298 : f32 to vector<16xf32>
        %le3A_300 = arith.cmpf ole, %add3A_297, %le3A_299 : vector<16xf32>
        %convert_element_type3A_301 = arith.extui %le3A_300 : vector<16xi1> to vector<16xi32>
        %broadcast_in_dim3A_302 = arith.constant true
        %broadcast_in_dim3A_303 = vector.broadcast %broadcast_in_dim3A_302 : i1 to vector<16xi1>
        %masked_cumsum3A_304 = tpu.scan <sum>, %convert_element_type3A_301 masked %broadcast_in_dim3A_303 : vector<16xi32>, vector<16xi1> -> vector<16xi32>
        %sub3A_305 = arith.subi %masked_cumsum3A_304, %convert_element_type3A_301 : vector<16xi32>
        %all_reduce_population_count3A_306 = tpu.all_reduce %le3A_300 {dim = 0 : i64, kind = #tpu.reduction_kind<sum>} : vector<16xi1> -> vector<16xi32>
        %add3A_307 = vector.broadcast %while3A_162 : i32 to vector<16xi32>
        %add3A_308 = arith.addi %sub3A_305, %add3A_307 : vector<16xi32>
        %lt3A_309 = arith.constant 10 : i32
        %lt3A_310 = vector.broadcast %lt3A_309 : i32 to vector<16xi32>
        %lt3A_311 = arith.cmpi slt, %add3A_308, %lt3A_310 : vector<16xi32>
        %and3A_312 = arith.andi %le3A_300, %lt3A_311 : vector<16xi1>
        %mul3A_313 = arith.constant 16 : i32
        %mul3A_314 = arith.muli %add3A_286, %mul3A_313 : i32
        %add3A_315 = vector.broadcast %mul3A_314 : i32 to vector<16xi32>
        %add3A_316 = arith.addi %add3A_315, %add3A_308 : vector<16xi32>
        tpu.vector_store_idx %arg18[%add3A_316], %add3A_170 masked %and3A_312 : memref<4096xi32, #tpu.memory_space<vmem>>[vector<16xi32>], vector<16xi32>, vector<16xi1>
        tpu.vector_store_idx %arg19[%add3A_316], %get3A_164 masked %and3A_312 : memref<4096xf32, #tpu.memory_space<vmem>>[vector<16xi32>], vector<16xf32>, vector<16xi1>
        tpu.vector_store_idx %arg20[%add3A_316], %get3A_166 masked %and3A_312 : memref<4096xf32, #tpu.memory_space<vmem>>[vector<16xi32>], vector<16xf32>, vector<16xi1>
        tpu.vector_store_idx %arg21[%add3A_316], %get3A_168 masked %and3A_312 : memref<4096xf32, #tpu.memory_space<vmem>>[vector<16xi32>], vector<16xf32>, vector<16xi1>
        %slice3A_317 = vector.extract_strided_slice %all_reduce_population_count3A_306 {offsets = [0], sizes = [1], strides = [1]} : vector<16xi32> to vector<1xi32>
        %squeeze3A_318 = vector.extract %slice3A_317[0] : i32 from vector<1xi32>
        %add3A_319 = arith.addi %while3A_162, %squeeze3A_318 : i32
        %add3A_320 = arith.constant 16 : i32
        %add3A_321 = arith.addi %while3A_158, %add3A_320 : i32
        scf.yield %add3A_321, %add3A_202, %add3A_241, %add3A_280, %add3A_319 : i32, i32, i32, i32, i32
      }
      %slice3A_67 = vector.extract_strided_slice %get3A_31 {offsets = [4], sizes = [1], strides = [1]} : vector<16xf32> to vector<1xf32>
      %squeeze3A_68 = vector.extract %slice3A_67[0] : f32 from vector<1xf32>
      %slice3A_69 = vector.extract_strided_slice %get3A_35 {offsets = [4], sizes = [1], strides = [1]} : vector<16xf32> to vector<1xf32>
      %squeeze3A_70 = vector.extract %slice3A_69[0] : f32 from vector<1xf32>
      %slice3A_71 = vector.extract_strided_slice %get3A_39 {offsets = [4], sizes = [1], strides = [1]} : vector<16xf32> to vector<1xf32>
      %squeeze3A_72 = vector.extract %slice3A_71[0] : f32 from vector<1xf32>
      %slice3A_73 = vector.extract_strided_slice %get3A_31 {offsets = [5], sizes = [1], strides = [1]} : vector<16xf32> to vector<1xf32>
      %squeeze3A_74 = vector.extract %slice3A_73[0] : f32 from vector<1xf32>
      %slice3A_75 = vector.extract_strided_slice %get3A_35 {offsets = [5], sizes = [1], strides = [1]} : vector<16xf32> to vector<1xf32>
      %squeeze3A_76 = vector.extract %slice3A_75[0] : f32 from vector<1xf32>
      %slice3A_77 = vector.extract_strided_slice %get3A_39 {offsets = [5], sizes = [1], strides = [1]} : vector<16xf32> to vector<1xf32>
      %squeeze3A_78 = vector.extract %slice3A_77[0] : f32 from vector<1xf32>
      %slice3A_79 = vector.extract_strided_slice %get3A_31 {offsets = [6], sizes = [1], strides = [1]} : vector<16xf32> to vector<1xf32>
      %squeeze3A_80 = vector.extract %slice3A_79[0] : f32 from vector<1xf32>
      %slice3A_81 = vector.extract_strided_slice %get3A_35 {offsets = [6], sizes = [1], strides = [1]} : vector<16xf32> to vector<1xf32>
      %squeeze3A_82 = vector.extract %slice3A_81[0] : f32 from vector<1xf32>
      %slice3A_83 = vector.extract_strided_slice %get3A_39 {offsets = [6], sizes = [1], strides = [1]} : vector<16xf32> to vector<1xf32>
      %squeeze3A_84 = vector.extract %slice3A_83[0] : f32 from vector<1xf32>
      %slice3A_85 = vector.extract_strided_slice %get3A_31 {offsets = [7], sizes = [1], strides = [1]} : vector<16xf32> to vector<1xf32>
      %squeeze3A_86 = vector.extract %slice3A_85[0] : f32 from vector<1xf32>
      %slice3A_87 = vector.extract_strided_slice %get3A_35 {offsets = [7], sizes = [1], strides = [1]} : vector<16xf32> to vector<1xf32>
      %squeeze3A_88 = vector.extract %slice3A_87[0] : f32 from vector<1xf32>
      %slice3A_89 = vector.extract_strided_slice %get3A_39 {offsets = [7], sizes = [1], strides = [1]} : vector<16xf32> to vector<1xf32>
      %squeeze3A_90 = vector.extract %slice3A_89[0] : f32 from vector<1xf32>
      %while3A_91 = arith.constant 0 : i32
      %while3A_92 = arith.constant 0 : i32
      %while3A_93 = arith.constant 0 : i32
      %while3A_94 = arith.constant 0 : i32
      %while3A_95 = arith.constant 0 : i32
      %while3A_96:5 = scf.while (%while3A_158 = %while3A_91, %while3A_159 = %while3A_92, %while3A_160 = %while3A_93, %while3A_161 = %while3A_94, %while3A_162 = %while3A_95) : (i32, i32, i32, i32, i32) -> (i32, i32, i32, i32, i32) {
        %lt3A = arith.constant 10 : i32
        %lt3A_163 = arith.cmpi slt, %while3A_159, %lt3A : i32
        %lt3A_164 = arith.constant 10 : i32
        %lt3A_165 = arith.cmpi slt, %while3A_160, %lt3A_164 : i32
        %or3A = arith.ori %lt3A_163, %lt3A_165 : i1
        %lt3A_166 = arith.constant 10 : i32
        %lt3A_167 = arith.cmpi slt, %while3A_161, %lt3A_166 : i32
        %or3A_168 = arith.ori %or3A, %lt3A_167 : i1
        %lt3A_169 = arith.constant 10 : i32
        %lt3A_170 = arith.cmpi slt, %while3A_162, %lt3A_169 : i32
        %or3A_171 = arith.ori %or3A_168, %lt3A_170 : i1
        %lt3A_172 = arith.constant 8192 : i32
        %lt3A_173 = arith.cmpi slt, %while3A_158, %lt3A_172 : i32
        %and3A = arith.andi %lt3A_173, %or3A_171 : i1
        scf.condition(%and3A) %while3A_158, %while3A_159, %while3A_160, %while3A_161, %while3A_162 : i32, i32, i32, i32, i32
      } do {
      ^bb0(%while3A_158: i32, %while3A_159: i32, %while3A_160: i32, %while3A_161: i32, %while3A_162: i32):
        %get3A_163 = arith.index_cast %while3A_158 : i32 to index
        %get3A_164 = tpu.vector_load %arg12[%get3A_163] {strides = array<i32>} : memref<8192xf32, #tpu.memory_space<vmem>>, vector<16xf32>,
        %get3A_165 = arith.index_cast %while3A_158 : i32 to index
        %get3A_166 = tpu.vector_load %arg13[%get3A_165] {strides = array<i32>} : memref<8192xf32, #tpu.memory_space<vmem>>, vector<16xf32>,
        %get3A_167 = arith.index_cast %while3A_158 : i32 to index
        %get3A_168 = tpu.vector_load %arg14[%get3A_167] {strides = array<i32>} : memref<8192xf32, #tpu.memory_space<vmem>>, vector<16xf32>,
        %add3A_169 = vector.broadcast %while3A_158 : i32 to vector<16xi32>
        %add3A_170 = arith.addi %add3A_169, %iota3A : vector<16xi32>
        %mul3A_171 = arith.constant 16 : i32
        %mul3A_172 = arith.muli %scan3A_27, %mul3A_171 : i32
        %add3A_173 = arith.constant 4 : i32
        %add3A_174 = arith.addi %mul3A_172, %add3A_173 : i32
        %add3A_175 = arith.constant 0 : i32
        %add3A_176 = arith.addi %add3A_174, %add3A_175 : i32
        %sub3A = vector.broadcast %squeeze3A_68 : f32 to vector<16xf32>
        %sub3A_177 = arith.subf %get3A_164, %sub3A : vector<16xf32>
        %sub3A_178 = vector.broadcast %squeeze3A_70 : f32 to vector<16xf32>
        %sub3A_179 = arith.subf %get3A_166, %sub3A_178 : vector<16xf32>
        %sub3A_180 = vector.broadcast %squeeze3A_72 : f32 to vector<16xf32>
        %sub3A_181 = arith.subf %get3A_168, %sub3A_180 : vector<16xf32>
        %mul3A_182 = arith.mulf %sub3A_177, %sub3A_177 : vector<16xf32>
        %mul3A_183 = arith.mulf %sub3A_179, %sub3A_179 : vector<16xf32>
        %add3A_184 = arith.addf %mul3A_182, %mul3A_183 : vector<16xf32>
        %mul3A_185 = arith.mulf %sub3A_181, %sub3A_181 : vector<16xf32>
        %add3A_186 = arith.addf %add3A_184, %mul3A_185 : vector<16xf32>
        %le3A = arith.constant 6.250000e-02 : f32
        %le3A_187 = vector.broadcast %le3A : f32 to vector<16xf32>
        %le3A_188 = arith.cmpf ole, %add3A_186, %le3A_187 : vector<16xf32>
        %convert_element_type3A = arith.extui %le3A_188 : vector<16xi1> to vector<16xi32>
        %broadcast_in_dim3A_189 = arith.constant true
        %broadcast_in_dim3A_190 = vector.broadcast %broadcast_in_dim3A_189 : i1 to vector<16xi1>
        %masked_cumsum3A = tpu.scan <sum>, %convert_element_type3A masked %broadcast_in_dim3A_190 : vector<16xi32>, vector<16xi1> -> vector<16xi32>
        %sub3A_191 = arith.subi %masked_cumsum3A, %convert_element_type3A : vector<16xi32>
        %all_reduce_population_count3A = tpu.all_reduce %le3A_188 {dim = 0 : i64, kind = #tpu.reduction_kind<sum>} : vector<16xi1> -> vector<16xi32>
        %add3A_192 = vector.broadcast %while3A_159 : i32 to vector<16xi32>
        %add3A_193 = arith.addi %sub3A_191, %add3A_192 : vector<16xi32>
        %lt3A = arith.constant 10 : i32
        %lt3A_194 = vector.broadcast %lt3A : i32 to vector<16xi32>
        %lt3A_195 = arith.cmpi slt, %add3A_193, %lt3A_194 : vector<16xi32>
        %and3A = arith.andi %le3A_188, %lt3A_195 : vector<16xi1>
        %mul3A_196 = arith.constant 16 : i32
        %mul3A_197 = arith.muli %add3A_176, %mul3A_196 : i32
        %add3A_198 = vector.broadcast %mul3A_197 : i32 to vector<16xi32>
        %add3A_199 = arith.addi %add3A_198, %add3A_193 : vector<16xi32>
        tpu.vector_store_idx %arg18[%add3A_199], %add3A_170 masked %and3A : memref<4096xi32, #tpu.memory_space<vmem>>[vector<16xi32>], vector<16xi32>, vector<16xi1>
        tpu.vector_store_idx %arg19[%add3A_199], %get3A_164 masked %and3A : memref<4096xf32, #tpu.memory_space<vmem>>[vector<16xi32>], vector<16xf32>, vector<16xi1>
        tpu.vector_store_idx %arg20[%add3A_199], %get3A_166 masked %and3A : memref<4096xf32, #tpu.memory_space<vmem>>[vector<16xi32>], vector<16xf32>, vector<16xi1>
        tpu.vector_store_idx %arg21[%add3A_199], %get3A_168 masked %and3A : memref<4096xf32, #tpu.memory_space<vmem>>[vector<16xi32>], vector<16xf32>, vector<16xi1>
        %slice3A_200 = vector.extract_strided_slice %all_reduce_population_count3A {offsets = [0], sizes = [1], strides = [1]} : vector<16xi32> to vector<1xi32>
        %squeeze3A_201 = vector.extract %slice3A_200[0] : i32 from vector<1xi32>
        %add3A_202 = arith.addi %while3A_159, %squeeze3A_201 : i32
        %mul3A_203 = arith.constant 16 : i32
        %mul3A_204 = arith.muli %scan3A_27, %mul3A_203 : i32
        %add3A_205 = arith.constant 4 : i32
        %add3A_206 = arith.addi %mul3A_204, %add3A_205 : i32
        %add3A_207 = arith.constant 1 : i32
        %add3A_208 = arith.addi %add3A_206, %add3A_207 : i32
        %sub3A_209 = vector.broadcast %squeeze3A_74 : f32 to vector<16xf32>
        %sub3A_210 = arith.subf %get3A_164, %sub3A_209 : vector<16xf32>
        %sub3A_211 = vector.broadcast %squeeze3A_76 : f32 to vector<16xf32>
        %sub3A_212 = arith.subf %get3A_166, %sub3A_211 : vector<16xf32>
        %sub3A_213 = vector.broadcast %squeeze3A_78 : f32 to vector<16xf32>
        %sub3A_214 = arith.subf %get3A_168, %sub3A_213 : vector<16xf32>
        %mul3A_215 = arith.mulf %sub3A_210, %sub3A_210 : vector<16xf32>
        %mul3A_216 = arith.mulf %sub3A_212, %sub3A_212 : vector<16xf32>
        %add3A_217 = arith.addf %mul3A_215, %mul3A_216 : vector<16xf32>
        %mul3A_218 = arith.mulf %sub3A_214, %sub3A_214 : vector<16xf32>
        %add3A_219 = arith.addf %add3A_217, %mul3A_218 : vector<16xf32>
        %le3A_220 = arith.constant 6.250000e-02 : f32
        %le3A_221 = vector.broadcast %le3A_220 : f32 to vector<16xf32>
        %le3A_222 = arith.cmpf ole, %add3A_219, %le3A_221 : vector<16xf32>
        %convert_element_type3A_223 = arith.extui %le3A_222 : vector<16xi1> to vector<16xi32>
        %broadcast_in_dim3A_224 = arith.constant true
        %broadcast_in_dim3A_225 = vector.broadcast %broadcast_in_dim3A_224 : i1 to vector<16xi1>
        %masked_cumsum3A_226 = tpu.scan <sum>, %convert_element_type3A_223 masked %broadcast_in_dim3A_225 : vector<16xi32>, vector<16xi1> -> vector<16xi32>
        %sub3A_227 = arith.subi %masked_cumsum3A_226, %convert_element_type3A_223 : vector<16xi32>
        %all_reduce_population_count3A_228 = tpu.all_reduce %le3A_222 {dim = 0 : i64, kind = #tpu.reduction_kind<sum>} : vector<16xi1> -> vector<16xi32>
        %add3A_229 = vector.broadcast %while3A_160 : i32 to vector<16xi32>
        %add3A_230 = arith.addi %sub3A_227, %add3A_229 : vector<16xi32>
        %lt3A_231 = arith.constant 10 : i32
        %lt3A_232 = vector.broadcast %lt3A_231 : i32 to vector<16xi32>
        %lt3A_233 = arith.cmpi slt, %add3A_230, %lt3A_232 : vector<16xi32>
        %and3A_234 = arith.andi %le3A_222, %lt3A_233 : vector<16xi1>
        %mul3A_235 = arith.constant 16 : i32
        %mul3A_236 = arith.muli %add3A_208, %mul3A_235 : i32
        %add3A_237 = vector.broadcast %mul3A_236 : i32 to vector<16xi32>
        %add3A_238 = arith.addi %add3A_237, %add3A_230 : vector<16xi32>
        tpu.vector_store_idx %arg18[%add3A_238], %add3A_170 masked %and3A_234 : memref<4096xi32, #tpu.memory_space<vmem>>[vector<16xi32>], vector<16xi32>, vector<16xi1>
        tpu.vector_store_idx %arg19[%add3A_238], %get3A_164 masked %and3A_234 : memref<4096xf32, #tpu.memory_space<vmem>>[vector<16xi32>], vector<16xf32>, vector<16xi1>
        tpu.vector_store_idx %arg20[%add3A_238], %get3A_166 masked %and3A_234 : memref<4096xf32, #tpu.memory_space<vmem>>[vector<16xi32>], vector<16xf32>, vector<16xi1>
        tpu.vector_store_idx %arg21[%add3A_238], %get3A_168 masked %and3A_234 : memref<4096xf32, #tpu.memory_space<vmem>>[vector<16xi32>], vector<16xf32>, vector<16xi1>
        %slice3A_239 = vector.extract_strided_slice %all_reduce_population_count3A_228 {offsets = [0], sizes = [1], strides = [1]} : vector<16xi32> to vector<1xi32>
        %squeeze3A_240 = vector.extract %slice3A_239[0] : i32 from vector<1xi32>
        %add3A_241 = arith.addi %while3A_160, %squeeze3A_240 : i32
        %mul3A_242 = arith.constant 16 : i32
        %mul3A_243 = arith.muli %scan3A_27, %mul3A_242 : i32
        %add3A_244 = arith.constant 4 : i32
        %add3A_245 = arith.addi %mul3A_243, %add3A_244 : i32
        %add3A_246 = arith.constant 2 : i32
        %add3A_247 = arith.addi %add3A_245, %add3A_246 : i32
        %sub3A_248 = vector.broadcast %squeeze3A_80 : f32 to vector<16xf32>
        %sub3A_249 = arith.subf %get3A_164, %sub3A_248 : vector<16xf32>
        %sub3A_250 = vector.broadcast %squeeze3A_82 : f32 to vector<16xf32>
        %sub3A_251 = arith.subf %get3A_166, %sub3A_250 : vector<16xf32>
        %sub3A_252 = vector.broadcast %squeeze3A_84 : f32 to vector<16xf32>
        %sub3A_253 = arith.subf %get3A_168, %sub3A_252 : vector<16xf32>
        %mul3A_254 = arith.mulf %sub3A_249, %sub3A_249 : vector<16xf32>
        %mul3A_255 = arith.mulf %sub3A_251, %sub3A_251 : vector<16xf32>
        %add3A_256 = arith.addf %mul3A_254, %mul3A_255 : vector<16xf32>
        %mul3A_257 = arith.mulf %sub3A_253, %sub3A_253 : vector<16xf32>
        %add3A_258 = arith.addf %add3A_256, %mul3A_257 : vector<16xf32>
        %le3A_259 = arith.constant 6.250000e-02 : f32
        %le3A_260 = vector.broadcast %le3A_259 : f32 to vector<16xf32>
        %le3A_261 = arith.cmpf ole, %add3A_258, %le3A_260 : vector<16xf32>
        %convert_element_type3A_262 = arith.extui %le3A_261 : vector<16xi1> to vector<16xi32>
        %broadcast_in_dim3A_263 = arith.constant true
        %broadcast_in_dim3A_264 = vector.broadcast %broadcast_in_dim3A_263 : i1 to vector<16xi1>
        %masked_cumsum3A_265 = tpu.scan <sum>, %convert_element_type3A_262 masked %broadcast_in_dim3A_264 : vector<16xi32>, vector<16xi1> -> vector<16xi32>
        %sub3A_266 = arith.subi %masked_cumsum3A_265, %convert_element_type3A_262 : vector<16xi32>
        %all_reduce_population_count3A_267 = tpu.all_reduce %le3A_261 {dim = 0 : i64, kind = #tpu.reduction_kind<sum>} : vector<16xi1> -> vector<16xi32>
        %add3A_268 = vector.broadcast %while3A_161 : i32 to vector<16xi32>
        %add3A_269 = arith.addi %sub3A_266, %add3A_268 : vector<16xi32>
        %lt3A_270 = arith.constant 10 : i32
        %lt3A_271 = vector.broadcast %lt3A_270 : i32 to vector<16xi32>
        %lt3A_272 = arith.cmpi slt, %add3A_269, %lt3A_271 : vector<16xi32>
        %and3A_273 = arith.andi %le3A_261, %lt3A_272 : vector<16xi1>
        %mul3A_274 = arith.constant 16 : i32
        %mul3A_275 = arith.muli %add3A_247, %mul3A_274 : i32
        %add3A_276 = vector.broadcast %mul3A_275 : i32 to vector<16xi32>
        %add3A_277 = arith.addi %add3A_276, %add3A_269 : vector<16xi32>
        tpu.vector_store_idx %arg18[%add3A_277], %add3A_170 masked %and3A_273 : memref<4096xi32, #tpu.memory_space<vmem>>[vector<16xi32>], vector<16xi32>, vector<16xi1>
        tpu.vector_store_idx %arg19[%add3A_277], %get3A_164 masked %and3A_273 : memref<4096xf32, #tpu.memory_space<vmem>>[vector<16xi32>], vector<16xf32>, vector<16xi1>
        tpu.vector_store_idx %arg20[%add3A_277], %get3A_166 masked %and3A_273 : memref<4096xf32, #tpu.memory_space<vmem>>[vector<16xi32>], vector<16xf32>, vector<16xi1>
        tpu.vector_store_idx %arg21[%add3A_277], %get3A_168 masked %and3A_273 : memref<4096xf32, #tpu.memory_space<vmem>>[vector<16xi32>], vector<16xf32>, vector<16xi1>
        %slice3A_278 = vector.extract_strided_slice %all_reduce_population_count3A_267 {offsets = [0], sizes = [1], strides = [1]} : vector<16xi32> to vector<1xi32>
        %squeeze3A_279 = vector.extract %slice3A_278[0] : i32 from vector<1xi32>
        %add3A_280 = arith.addi %while3A_161, %squeeze3A_279 : i32
        %mul3A_281 = arith.constant 16 : i32
        %mul3A_282 = arith.muli %scan3A_27, %mul3A_281 : i32
        %add3A_283 = arith.constant 4 : i32
        %add3A_284 = arith.addi %mul3A_282, %add3A_283 : i32
        %add3A_285 = arith.constant 3 : i32
        %add3A_286 = arith.addi %add3A_284, %add3A_285 : i32
        %sub3A_287 = vector.broadcast %squeeze3A_86 : f32 to vector<16xf32>
        %sub3A_288 = arith.subf %get3A_164, %sub3A_287 : vector<16xf32>
        %sub3A_289 = vector.broadcast %squeeze3A_88 : f32 to vector<16xf32>
        %sub3A_290 = arith.subf %get3A_166, %sub3A_289 : vector<16xf32>
        %sub3A_291 = vector.broadcast %squeeze3A_90 : f32 to vector<16xf32>
        %sub3A_292 = arith.subf %get3A_168, %sub3A_291 : vector<16xf32>
        %mul3A_293 = arith.mulf %sub3A_288, %sub3A_288 : vector<16xf32>
        %mul3A_294 = arith.mulf %sub3A_290, %sub3A_290 : vector<16xf32>
        %add3A_295 = arith.addf %mul3A_293, %mul3A_294 : vector<16xf32>
        %mul3A_296 = arith.mulf %sub3A_292, %sub3A_292 : vector<16xf32>
        %add3A_297 = arith.addf %add3A_295, %mul3A_296 : vector<16xf32>
        %le3A_298 = arith.constant 6.250000e-02 : f32
        %le3A_299 = vector.broadcast %le3A_298 : f32 to vector<16xf32>
        %le3A_300 = arith.cmpf ole, %add3A_297, %le3A_299 : vector<16xf32>
        %convert_element_type3A_301 = arith.extui %le3A_300 : vector<16xi1> to vector<16xi32>
        %broadcast_in_dim3A_302 = arith.constant true
        %broadcast_in_dim3A_303 = vector.broadcast %broadcast_in_dim3A_302 : i1 to vector<16xi1>
        %masked_cumsum3A_304 = tpu.scan <sum>, %convert_element_type3A_301 masked %broadcast_in_dim3A_303 : vector<16xi32>, vector<16xi1> -> vector<16xi32>
        %sub3A_305 = arith.subi %masked_cumsum3A_304, %convert_element_type3A_301 : vector<16xi32>
        %all_reduce_population_count3A_306 = tpu.all_reduce %le3A_300 {dim = 0 : i64, kind = #tpu.reduction_kind<sum>} : vector<16xi1> -> vector<16xi32>
        %add3A_307 = vector.broadcast %while3A_162 : i32 to vector<16xi32>
        %add3A_308 = arith.addi %sub3A_305, %add3A_307 : vector<16xi32>
        %lt3A_309 = arith.constant 10 : i32
        %lt3A_310 = vector.broadcast %lt3A_309 : i32 to vector<16xi32>
        %lt3A_311 = arith.cmpi slt, %add3A_308, %lt3A_310 : vector<16xi32>
        %and3A_312 = arith.andi %le3A_300, %lt3A_311 : vector<16xi1>
        %mul3A_313 = arith.constant 16 : i32
        %mul3A_314 = arith.muli %add3A_286, %mul3A_313 : i32
        %add3A_315 = vector.broadcast %mul3A_314 : i32 to vector<16xi32>
        %add3A_316 = arith.addi %add3A_315, %add3A_308 : vector<16xi32>
        tpu.vector_store_idx %arg18[%add3A_316], %add3A_170 masked %and3A_312 : memref<4096xi32, #tpu.memory_space<vmem>>[vector<16xi32>], vector<16xi32>, vector<16xi1>
        tpu.vector_store_idx %arg19[%add3A_316], %get3A_164 masked %and3A_312 : memref<4096xf32, #tpu.memory_space<vmem>>[vector<16xi32>], vector<16xf32>, vector<16xi1>
        tpu.vector_store_idx %arg20[%add3A_316], %get3A_166 masked %and3A_312 : memref<4096xf32, #tpu.memory_space<vmem>>[vector<16xi32>], vector<16xf32>, vector<16xi1>
        tpu.vector_store_idx %arg21[%add3A_316], %get3A_168 masked %and3A_312 : memref<4096xf32, #tpu.memory_space<vmem>>[vector<16xi32>], vector<16xf32>, vector<16xi1>
        %slice3A_317 = vector.extract_strided_slice %all_reduce_population_count3A_306 {offsets = [0], sizes = [1], strides = [1]} : vector<16xi32> to vector<1xi32>
        %squeeze3A_318 = vector.extract %slice3A_317[0] : i32 from vector<1xi32>
        %add3A_319 = arith.addi %while3A_162, %squeeze3A_318 : i32
        %add3A_320 = arith.constant 16 : i32
        %add3A_321 = arith.addi %while3A_158, %add3A_320 : i32
        scf.yield %add3A_321, %add3A_202, %add3A_241, %add3A_280, %add3A_319 : i32, i32, i32, i32, i32
      }
      %slice3A_97 = vector.extract_strided_slice %get3A_31 {offsets = [8], sizes = [1], strides = [1]} : vector<16xf32> to vector<1xf32>
      %squeeze3A_98 = vector.extract %slice3A_97[0] : f32 from vector<1xf32>
      %slice3A_99 = vector.extract_strided_slice %get3A_35 {offsets = [8], sizes = [1], strides = [1]} : vector<16xf32> to vector<1xf32>
      %squeeze3A_100 = vector.extract %slice3A_99[0] : f32 from vector<1xf32>
      %slice3A_101 = vector.extract_strided_slice %get3A_39 {offsets = [8], sizes = [1], strides = [1]} : vector<16xf32> to vector<1xf32>
      %squeeze3A_102 = vector.extract %slice3A_101[0] : f32 from vector<1xf32>
      %slice3A_103 = vector.extract_strided_slice %get3A_31 {offsets = [9], sizes = [1], strides = [1]} : vector<16xf32> to vector<1xf32>
      %squeeze3A_104 = vector.extract %slice3A_103[0] : f32 from vector<1xf32>
      %slice3A_105 = vector.extract_strided_slice %get3A_35 {offsets = [9], sizes = [1], strides = [1]} : vector<16xf32> to vector<1xf32>
      %squeeze3A_106 = vector.extract %slice3A_105[0] : f32 from vector<1xf32>
      %slice3A_107 = vector.extract_strided_slice %get3A_39 {offsets = [9], sizes = [1], strides = [1]} : vector<16xf32> to vector<1xf32>
      %squeeze3A_108 = vector.extract %slice3A_107[0] : f32 from vector<1xf32>
      %slice3A_109 = vector.extract_strided_slice %get3A_31 {offsets = [10], sizes = [1], strides = [1]} : vector<16xf32> to vector<1xf32>
      %squeeze3A_110 = vector.extract %slice3A_109[0] : f32 from vector<1xf32>
      %slice3A_111 = vector.extract_strided_slice %get3A_35 {offsets = [10], sizes = [1], strides = [1]} : vector<16xf32> to vector<1xf32>
      %squeeze3A_112 = vector.extract %slice3A_111[0] : f32 from vector<1xf32>
      %slice3A_113 = vector.extract_strided_slice %get3A_39 {offsets = [10], sizes = [1], strides = [1]} : vector<16xf32> to vector<1xf32>
      %squeeze3A_114 = vector.extract %slice3A_113[0] : f32 from vector<1xf32>
      %slice3A_115 = vector.extract_strided_slice %get3A_31 {offsets = [11], sizes = [1], strides = [1]} : vector<16xf32> to vector<1xf32>
      %squeeze3A_116 = vector.extract %slice3A_115[0] : f32 from vector<1xf32>
      %slice3A_117 = vector.extract_strided_slice %get3A_35 {offsets = [11], sizes = [1], strides = [1]} : vector<16xf32> to vector<1xf32>
      %squeeze3A_118 = vector.extract %slice3A_117[0] : f32 from vector<1xf32>
      %slice3A_119 = vector.extract_strided_slice %get3A_39 {offsets = [11], sizes = [1], strides = [1]} : vector<16xf32> to vector<1xf32>
      %squeeze3A_120 = vector.extract %slice3A_119[0] : f32 from vector<1xf32>
      %while3A_121 = arith.constant 0 : i32
      %while3A_122 = arith.constant 0 : i32
      %while3A_123 = arith.constant 0 : i32
      %while3A_124 = arith.constant 0 : i32
      %while3A_125 = arith.constant 0 : i32
      %while3A_126:5 = scf.while (%while3A_158 = %while3A_121, %while3A_159 = %while3A_122, %while3A_160 = %while3A_123, %while3A_161 = %while3A_124, %while3A_162 = %while3A_125) : (i32, i32, i32, i32, i32) -> (i32, i32, i32, i32, i32) {
        %lt3A = arith.constant 10 : i32
        %lt3A_163 = arith.cmpi slt, %while3A_159, %lt3A : i32
        %lt3A_164 = arith.constant 10 : i32
        %lt3A_165 = arith.cmpi slt, %while3A_160, %lt3A_164 : i32
        %or3A = arith.ori %lt3A_163, %lt3A_165 : i1
        %lt3A_166 = arith.constant 10 : i32
        %lt3A_167 = arith.cmpi slt, %while3A_161, %lt3A_166 : i32
        %or3A_168 = arith.ori %or3A, %lt3A_167 : i1
        %lt3A_169 = arith.constant 10 : i32
        %lt3A_170 = arith.cmpi slt, %while3A_162, %lt3A_169 : i32
        %or3A_171 = arith.ori %or3A_168, %lt3A_170 : i1
        %lt3A_172 = arith.constant 8192 : i32
        %lt3A_173 = arith.cmpi slt, %while3A_158, %lt3A_172 : i32
        %and3A = arith.andi %lt3A_173, %or3A_171 : i1
        scf.condition(%and3A) %while3A_158, %while3A_159, %while3A_160, %while3A_161, %while3A_162 : i32, i32, i32, i32, i32
      } do {
      ^bb0(%while3A_158: i32, %while3A_159: i32, %while3A_160: i32, %while3A_161: i32, %while3A_162: i32):
        %get3A_163 = arith.index_cast %while3A_158 : i32 to index
        %get3A_164 = tpu.vector_load %arg12[%get3A_163] {strides = array<i32>} : memref<8192xf32, #tpu.memory_space<vmem>>, vector<16xf32>,
        %get3A_165 = arith.index_cast %while3A_158 : i32 to index
        %get3A_166 = tpu.vector_load %arg13[%get3A_165] {strides = array<i32>} : memref<8192xf32, #tpu.memory_space<vmem>>, vector<16xf32>,
        %get3A_167 = arith.index_cast %while3A_158 : i32 to index
        %get3A_168 = tpu.vector_load %arg14[%get3A_167] {strides = array<i32>} : memref<8192xf32, #tpu.memory_space<vmem>>, vector<16xf32>,
        %add3A_169 = vector.broadcast %while3A_158 : i32 to vector<16xi32>
        %add3A_170 = arith.addi %add3A_169, %iota3A : vector<16xi32>
        %mul3A_171 = arith.constant 16 : i32
        %mul3A_172 = arith.muli %scan3A_27, %mul3A_171 : i32
        %add3A_173 = arith.constant 8 : i32
        %add3A_174 = arith.addi %mul3A_172, %add3A_173 : i32
        %add3A_175 = arith.constant 0 : i32
        %add3A_176 = arith.addi %add3A_174, %add3A_175 : i32
        %sub3A = vector.broadcast %squeeze3A_98 : f32 to vector<16xf32>
        %sub3A_177 = arith.subf %get3A_164, %sub3A : vector<16xf32>
        %sub3A_178 = vector.broadcast %squeeze3A_100 : f32 to vector<16xf32>
        %sub3A_179 = arith.subf %get3A_166, %sub3A_178 : vector<16xf32>
        %sub3A_180 = vector.broadcast %squeeze3A_102 : f32 to vector<16xf32>
        %sub3A_181 = arith.subf %get3A_168, %sub3A_180 : vector<16xf32>
        %mul3A_182 = arith.mulf %sub3A_177, %sub3A_177 : vector<16xf32>
        %mul3A_183 = arith.mulf %sub3A_179, %sub3A_179 : vector<16xf32>
        %add3A_184 = arith.addf %mul3A_182, %mul3A_183 : vector<16xf32>
        %mul3A_185 = arith.mulf %sub3A_181, %sub3A_181 : vector<16xf32>
        %add3A_186 = arith.addf %add3A_184, %mul3A_185 : vector<16xf32>
        %le3A = arith.constant 6.250000e-02 : f32
        %le3A_187 = vector.broadcast %le3A : f32 to vector<16xf32>
        %le3A_188 = arith.cmpf ole, %add3A_186, %le3A_187 : vector<16xf32>
        %convert_element_type3A = arith.extui %le3A_188 : vector<16xi1> to vector<16xi32>
        %broadcast_in_dim3A_189 = arith.constant true
        %broadcast_in_dim3A_190 = vector.broadcast %broadcast_in_dim3A_189 : i1 to vector<16xi1>
        %masked_cumsum3A = tpu.scan <sum>, %convert_element_type3A masked %broadcast_in_dim3A_190 : vector<16xi32>, vector<16xi1> -> vector<16xi32>
        %sub3A_191 = arith.subi %masked_cumsum3A, %convert_element_type3A : vector<16xi32>
        %all_reduce_population_count3A = tpu.all_reduce %le3A_188 {dim = 0 : i64, kind = #tpu.reduction_kind<sum>} : vector<16xi1> -> vector<16xi32>
        %add3A_192 = vector.broadcast %while3A_159 : i32 to vector<16xi32>
        %add3A_193 = arith.addi %sub3A_191, %add3A_192 : vector<16xi32>
        %lt3A = arith.constant 10 : i32
        %lt3A_194 = vector.broadcast %lt3A : i32 to vector<16xi32>
        %lt3A_195 = arith.cmpi slt, %add3A_193, %lt3A_194 : vector<16xi32>
        %and3A = arith.andi %le3A_188, %lt3A_195 : vector<16xi1>
        %mul3A_196 = arith.constant 16 : i32
        %mul3A_197 = arith.muli %add3A_176, %mul3A_196 : i32
        %add3A_198 = vector.broadcast %mul3A_197 : i32 to vector<16xi32>
        %add3A_199 = arith.addi %add3A_198, %add3A_193 : vector<16xi32>
        tpu.vector_store_idx %arg18[%add3A_199], %add3A_170 masked %and3A : memref<4096xi32, #tpu.memory_space<vmem>>[vector<16xi32>], vector<16xi32>, vector<16xi1>
        tpu.vector_store_idx %arg19[%add3A_199], %get3A_164 masked %and3A : memref<4096xf32, #tpu.memory_space<vmem>>[vector<16xi32>], vector<16xf32>, vector<16xi1>
        tpu.vector_store_idx %arg20[%add3A_199], %get3A_166 masked %and3A : memref<4096xf32, #tpu.memory_space<vmem>>[vector<16xi32>], vector<16xf32>, vector<16xi1>
        tpu.vector_store_idx %arg21[%add3A_199], %get3A_168 masked %and3A : memref<4096xf32, #tpu.memory_space<vmem>>[vector<16xi32>], vector<16xf32>, vector<16xi1>
        %slice3A_200 = vector.extract_strided_slice %all_reduce_population_count3A {offsets = [0], sizes = [1], strides = [1]} : vector<16xi32> to vector<1xi32>
        %squeeze3A_201 = vector.extract %slice3A_200[0] : i32 from vector<1xi32>
        %add3A_202 = arith.addi %while3A_159, %squeeze3A_201 : i32
        %mul3A_203 = arith.constant 16 : i32
        %mul3A_204 = arith.muli %scan3A_27, %mul3A_203 : i32
        %add3A_205 = arith.constant 8 : i32
        %add3A_206 = arith.addi %mul3A_204, %add3A_205 : i32
        %add3A_207 = arith.constant 1 : i32
        %add3A_208 = arith.addi %add3A_206, %add3A_207 : i32
        %sub3A_209 = vector.broadcast %squeeze3A_104 : f32 to vector<16xf32>
        %sub3A_210 = arith.subf %get3A_164, %sub3A_209 : vector<16xf32>
        %sub3A_211 = vector.broadcast %squeeze3A_106 : f32 to vector<16xf32>
        %sub3A_212 = arith.subf %get3A_166, %sub3A_211 : vector<16xf32>
        %sub3A_213 = vector.broadcast %squeeze3A_108 : f32 to vector<16xf32>
        %sub3A_214 = arith.subf %get3A_168, %sub3A_213 : vector<16xf32>
        %mul3A_215 = arith.mulf %sub3A_210, %sub3A_210 : vector<16xf32>
        %mul3A_216 = arith.mulf %sub3A_212, %sub3A_212 : vector<16xf32>
        %add3A_217 = arith.addf %mul3A_215, %mul3A_216 : vector<16xf32>
        %mul3A_218 = arith.mulf %sub3A_214, %sub3A_214 : vector<16xf32>
        %add3A_219 = arith.addf %add3A_217, %mul3A_218 : vector<16xf32>
        %le3A_220 = arith.constant 6.250000e-02 : f32
        %le3A_221 = vector.broadcast %le3A_220 : f32 to vector<16xf32>
        %le3A_222 = arith.cmpf ole, %add3A_219, %le3A_221 : vector<16xf32>
        %convert_element_type3A_223 = arith.extui %le3A_222 : vector<16xi1> to vector<16xi32>
        %broadcast_in_dim3A_224 = arith.constant true
        %broadcast_in_dim3A_225 = vector.broadcast %broadcast_in_dim3A_224 : i1 to vector<16xi1>
        %masked_cumsum3A_226 = tpu.scan <sum>, %convert_element_type3A_223 masked %broadcast_in_dim3A_225 : vector<16xi32>, vector<16xi1> -> vector<16xi32>
        %sub3A_227 = arith.subi %masked_cumsum3A_226, %convert_element_type3A_223 : vector<16xi32>
        %all_reduce_population_count3A_228 = tpu.all_reduce %le3A_222 {dim = 0 : i64, kind = #tpu.reduction_kind<sum>} : vector<16xi1> -> vector<16xi32>
        %add3A_229 = vector.broadcast %while3A_160 : i32 to vector<16xi32>
        %add3A_230 = arith.addi %sub3A_227, %add3A_229 : vector<16xi32>
        %lt3A_231 = arith.constant 10 : i32
        %lt3A_232 = vector.broadcast %lt3A_231 : i32 to vector<16xi32>
        %lt3A_233 = arith.cmpi slt, %add3A_230, %lt3A_232 : vector<16xi32>
        %and3A_234 = arith.andi %le3A_222, %lt3A_233 : vector<16xi1>
        %mul3A_235 = arith.constant 16 : i32
        %mul3A_236 = arith.muli %add3A_208, %mul3A_235 : i32
        %add3A_237 = vector.broadcast %mul3A_236 : i32 to vector<16xi32>
        %add3A_238 = arith.addi %add3A_237, %add3A_230 : vector<16xi32>
        tpu.vector_store_idx %arg18[%add3A_238], %add3A_170 masked %and3A_234 : memref<4096xi32, #tpu.memory_space<vmem>>[vector<16xi32>], vector<16xi32>, vector<16xi1>
        tpu.vector_store_idx %arg19[%add3A_238], %get3A_164 masked %and3A_234 : memref<4096xf32, #tpu.memory_space<vmem>>[vector<16xi32>], vector<16xf32>, vector<16xi1>
        tpu.vector_store_idx %arg20[%add3A_238], %get3A_166 masked %and3A_234 : memref<4096xf32, #tpu.memory_space<vmem>>[vector<16xi32>], vector<16xf32>, vector<16xi1>
        tpu.vector_store_idx %arg21[%add3A_238], %get3A_168 masked %and3A_234 : memref<4096xf32, #tpu.memory_space<vmem>>[vector<16xi32>], vector<16xf32>, vector<16xi1>
        %slice3A_239 = vector.extract_strided_slice %all_reduce_population_count3A_228 {offsets = [0], sizes = [1], strides = [1]} : vector<16xi32> to vector<1xi32>
        %squeeze3A_240 = vector.extract %slice3A_239[0] : i32 from vector<1xi32>
        %add3A_241 = arith.addi %while3A_160, %squeeze3A_240 : i32
        %mul3A_242 = arith.constant 16 : i32
        %mul3A_243 = arith.muli %scan3A_27, %mul3A_242 : i32
        %add3A_244 = arith.constant 8 : i32
        %add3A_245 = arith.addi %mul3A_243, %add3A_244 : i32
        %add3A_246 = arith.constant 2 : i32
        %add3A_247 = arith.addi %add3A_245, %add3A_246 : i32
        %sub3A_248 = vector.broadcast %squeeze3A_110 : f32 to vector<16xf32>
        %sub3A_249 = arith.subf %get3A_164, %sub3A_248 : vector<16xf32>
        %sub3A_250 = vector.broadcast %squeeze3A_112 : f32 to vector<16xf32>
        %sub3A_251 = arith.subf %get3A_166, %sub3A_250 : vector<16xf32>
        %sub3A_252 = vector.broadcast %squeeze3A_114 : f32 to vector<16xf32>
        %sub3A_253 = arith.subf %get3A_168, %sub3A_252 : vector<16xf32>
        %mul3A_254 = arith.mulf %sub3A_249, %sub3A_249 : vector<16xf32>
        %mul3A_255 = arith.mulf %sub3A_251, %sub3A_251 : vector<16xf32>
        %add3A_256 = arith.addf %mul3A_254, %mul3A_255 : vector<16xf32>
        %mul3A_257 = arith.mulf %sub3A_253, %sub3A_253 : vector<16xf32>
        %add3A_258 = arith.addf %add3A_256, %mul3A_257 : vector<16xf32>
        %le3A_259 = arith.constant 6.250000e-02 : f32
        %le3A_260 = vector.broadcast %le3A_259 : f32 to vector<16xf32>
        %le3A_261 = arith.cmpf ole, %add3A_258, %le3A_260 : vector<16xf32>
        %convert_element_type3A_262 = arith.extui %le3A_261 : vector<16xi1> to vector<16xi32>
        %broadcast_in_dim3A_263 = arith.constant true
        %broadcast_in_dim3A_264 = vector.broadcast %broadcast_in_dim3A_263 : i1 to vector<16xi1>
        %masked_cumsum3A_265 = tpu.scan <sum>, %convert_element_type3A_262 masked %broadcast_in_dim3A_264 : vector<16xi32>, vector<16xi1> -> vector<16xi32>
        %sub3A_266 = arith.subi %masked_cumsum3A_265, %convert_element_type3A_262 : vector<16xi32>
        %all_reduce_population_count3A_267 = tpu.all_reduce %le3A_261 {dim = 0 : i64, kind = #tpu.reduction_kind<sum>} : vector<16xi1> -> vector<16xi32>
        %add3A_268 = vector.broadcast %while3A_161 : i32 to vector<16xi32>
        %add3A_269 = arith.addi %sub3A_266, %add3A_268 : vector<16xi32>
        %lt3A_270 = arith.constant 10 : i32
        %lt3A_271 = vector.broadcast %lt3A_270 : i32 to vector<16xi32>
        %lt3A_272 = arith.cmpi slt, %add3A_269, %lt3A_271 : vector<16xi32>
        %and3A_273 = arith.andi %le3A_261, %lt3A_272 : vector<16xi1>
        %mul3A_274 = arith.constant 16 : i32
        %mul3A_275 = arith.muli %add3A_247, %mul3A_274 : i32
        %add3A_276 = vector.broadcast %mul3A_275 : i32 to vector<16xi32>
        %add3A_277 = arith.addi %add3A_276, %add3A_269 : vector<16xi32>
        tpu.vector_store_idx %arg18[%add3A_277], %add3A_170 masked %and3A_273 : memref<4096xi32, #tpu.memory_space<vmem>>[vector<16xi32>], vector<16xi32>, vector<16xi1>
        tpu.vector_store_idx %arg19[%add3A_277], %get3A_164 masked %and3A_273 : memref<4096xf32, #tpu.memory_space<vmem>>[vector<16xi32>], vector<16xf32>, vector<16xi1>
        tpu.vector_store_idx %arg20[%add3A_277], %get3A_166 masked %and3A_273 : memref<4096xf32, #tpu.memory_space<vmem>>[vector<16xi32>], vector<16xf32>, vector<16xi1>
        tpu.vector_store_idx %arg21[%add3A_277], %get3A_168 masked %and3A_273 : memref<4096xf32, #tpu.memory_space<vmem>>[vector<16xi32>], vector<16xf32>, vector<16xi1>
        %slice3A_278 = vector.extract_strided_slice %all_reduce_population_count3A_267 {offsets = [0], sizes = [1], strides = [1]} : vector<16xi32> to vector<1xi32>
        %squeeze3A_279 = vector.extract %slice3A_278[0] : i32 from vector<1xi32>
        %add3A_280 = arith.addi %while3A_161, %squeeze3A_279 : i32
        %mul3A_281 = arith.constant 16 : i32
        %mul3A_282 = arith.muli %scan3A_27, %mul3A_281 : i32
        %add3A_283 = arith.constant 8 : i32
        %add3A_284 = arith.addi %mul3A_282, %add3A_283 : i32
        %add3A_285 = arith.constant 3 : i32
        %add3A_286 = arith.addi %add3A_284, %add3A_285 : i32
        %sub3A_287 = vector.broadcast %squeeze3A_116 : f32 to vector<16xf32>
        %sub3A_288 = arith.subf %get3A_164, %sub3A_287 : vector<16xf32>
        %sub3A_289 = vector.broadcast %squeeze3A_118 : f32 to vector<16xf32>
        %sub3A_290 = arith.subf %get3A_166, %sub3A_289 : vector<16xf32>
        %sub3A_291 = vector.broadcast %squeeze3A_120 : f32 to vector<16xf32>
        %sub3A_292 = arith.subf %get3A_168, %sub3A_291 : vector<16xf32>
        %mul3A_293 = arith.mulf %sub3A_288, %sub3A_288 : vector<16xf32>
        %mul3A_294 = arith.mulf %sub3A_290, %sub3A_290 : vector<16xf32>
        %add3A_295 = arith.addf %mul3A_293, %mul3A_294 : vector<16xf32>
        %mul3A_296 = arith.mulf %sub3A_292, %sub3A_292 : vector<16xf32>
        %add3A_297 = arith.addf %add3A_295, %mul3A_296 : vector<16xf32>
        %le3A_298 = arith.constant 6.250000e-02 : f32
        %le3A_299 = vector.broadcast %le3A_298 : f32 to vector<16xf32>
        %le3A_300 = arith.cmpf ole, %add3A_297, %le3A_299 : vector<16xf32>
        %convert_element_type3A_301 = arith.extui %le3A_300 : vector<16xi1> to vector<16xi32>
        %broadcast_in_dim3A_302 = arith.constant true
        %broadcast_in_dim3A_303 = vector.broadcast %broadcast_in_dim3A_302 : i1 to vector<16xi1>
        %masked_cumsum3A_304 = tpu.scan <sum>, %convert_element_type3A_301 masked %broadcast_in_dim3A_303 : vector<16xi32>, vector<16xi1> -> vector<16xi32>
        %sub3A_305 = arith.subi %masked_cumsum3A_304, %convert_element_type3A_301 : vector<16xi32>
        %all_reduce_population_count3A_306 = tpu.all_reduce %le3A_300 {dim = 0 : i64, kind = #tpu.reduction_kind<sum>} : vector<16xi1> -> vector<16xi32>
        %add3A_307 = vector.broadcast %while3A_162 : i32 to vector<16xi32>
        %add3A_308 = arith.addi %sub3A_305, %add3A_307 : vector<16xi32>
        %lt3A_309 = arith.constant 10 : i32
        %lt3A_310 = vector.broadcast %lt3A_309 : i32 to vector<16xi32>
        %lt3A_311 = arith.cmpi slt, %add3A_308, %lt3A_310 : vector<16xi32>
        %and3A_312 = arith.andi %le3A_300, %lt3A_311 : vector<16xi1>
        %mul3A_313 = arith.constant 16 : i32
        %mul3A_314 = arith.muli %add3A_286, %mul3A_313 : i32
        %add3A_315 = vector.broadcast %mul3A_314 : i32 to vector<16xi32>
        %add3A_316 = arith.addi %add3A_315, %add3A_308 : vector<16xi32>
        tpu.vector_store_idx %arg18[%add3A_316], %add3A_170 masked %and3A_312 : memref<4096xi32, #tpu.memory_space<vmem>>[vector<16xi32>], vector<16xi32>, vector<16xi1>
        tpu.vector_store_idx %arg19[%add3A_316], %get3A_164 masked %and3A_312 : memref<4096xf32, #tpu.memory_space<vmem>>[vector<16xi32>], vector<16xf32>, vector<16xi1>
        tpu.vector_store_idx %arg20[%add3A_316], %get3A_166 masked %and3A_312 : memref<4096xf32, #tpu.memory_space<vmem>>[vector<16xi32>], vector<16xf32>, vector<16xi1>
        tpu.vector_store_idx %arg21[%add3A_316], %get3A_168 masked %and3A_312 : memref<4096xf32, #tpu.memory_space<vmem>>[vector<16xi32>], vector<16xf32>, vector<16xi1>
        %slice3A_317 = vector.extract_strided_slice %all_reduce_population_count3A_306 {offsets = [0], sizes = [1], strides = [1]} : vector<16xi32> to vector<1xi32>
        %squeeze3A_318 = vector.extract %slice3A_317[0] : i32 from vector<1xi32>
        %add3A_319 = arith.addi %while3A_162, %squeeze3A_318 : i32
        %add3A_320 = arith.constant 16 : i32
        %add3A_321 = arith.addi %while3A_158, %add3A_320 : i32
        scf.yield %add3A_321, %add3A_202, %add3A_241, %add3A_280, %add3A_319 : i32, i32, i32, i32, i32
      }
      %slice3A_127 = vector.extract_strided_slice %get3A_31 {offsets = [12], sizes = [1], strides = [1]} : vector<16xf32> to vector<1xf32>
      %squeeze3A_128 = vector.extract %slice3A_127[0] : f32 from vector<1xf32>
      %slice3A_129 = vector.extract_strided_slice %get3A_35 {offsets = [12], sizes = [1], strides = [1]} : vector<16xf32> to vector<1xf32>
      %squeeze3A_130 = vector.extract %slice3A_129[0] : f32 from vector<1xf32>
      %slice3A_131 = vector.extract_strided_slice %get3A_39 {offsets = [12], sizes = [1], strides = [1]} : vector<16xf32> to vector<1xf32>
      %squeeze3A_132 = vector.extract %slice3A_131[0] : f32 from vector<1xf32>
      %slice3A_133 = vector.extract_strided_slice %get3A_31 {offsets = [13], sizes = [1], strides = [1]} : vector<16xf32> to vector<1xf32>
      %squeeze3A_134 = vector.extract %slice3A_133[0] : f32 from vector<1xf32>
      %slice3A_135 = vector.extract_strided_slice %get3A_35 {offsets = [13], sizes = [1], strides = [1]} : vector<16xf32> to vector<1xf32>
      %squeeze3A_136 = vector.extract %slice3A_135[0] : f32 from vector<1xf32>
      %slice3A_137 = vector.extract_strided_slice %get3A_39 {offsets = [13], sizes = [1], strides = [1]} : vector<16xf32> to vector<1xf32>
      %squeeze3A_138 = vector.extract %slice3A_137[0] : f32 from vector<1xf32>
      %slice3A_139 = vector.extract_strided_slice %get3A_31 {offsets = [14], sizes = [1], strides = [1]} : vector<16xf32> to vector<1xf32>
      %squeeze3A_140 = vector.extract %slice3A_139[0] : f32 from vector<1xf32>
      %slice3A_141 = vector.extract_strided_slice %get3A_35 {offsets = [14], sizes = [1], strides = [1]} : vector<16xf32> to vector<1xf32>
      %squeeze3A_142 = vector.extract %slice3A_141[0] : f32 from vector<1xf32>
      %slice3A_143 = vector.extract_strided_slice %get3A_39 {offsets = [14], sizes = [1], strides = [1]} : vector<16xf32> to vector<1xf32>
      %squeeze3A_144 = vector.extract %slice3A_143[0] : f32 from vector<1xf32>
      %slice3A_145 = vector.extract_strided_slice %get3A_31 {offsets = [15], sizes = [1], strides = [1]} : vector<16xf32> to vector<1xf32>
      %squeeze3A_146 = vector.extract %slice3A_145[0] : f32 from vector<1xf32>
      %slice3A_147 = vector.extract_strided_slice %get3A_35 {offsets = [15], sizes = [1], strides = [1]} : vector<16xf32> to vector<1xf32>
      %squeeze3A_148 = vector.extract %slice3A_147[0] : f32 from vector<1xf32>
      %slice3A_149 = vector.extract_strided_slice %get3A_39 {offsets = [15], sizes = [1], strides = [1]} : vector<16xf32> to vector<1xf32>
      %squeeze3A_150 = vector.extract %slice3A_149[0] : f32 from vector<1xf32>
      %while3A_151 = arith.constant 0 : i32
      %while3A_152 = arith.constant 0 : i32
      %while3A_153 = arith.constant 0 : i32
      %while3A_154 = arith.constant 0 : i32
      %while3A_155 = arith.constant 0 : i32
      %while3A_156:5 = scf.while (%while3A_158 = %while3A_151, %while3A_159 = %while3A_152, %while3A_160 = %while3A_153, %while3A_161 = %while3A_154, %while3A_162 = %while3A_155) : (i32, i32, i32, i32, i32) -> (i32, i32, i32, i32, i32) {
        %lt3A = arith.constant 10 : i32
        %lt3A_163 = arith.cmpi slt, %while3A_159, %lt3A : i32
        %lt3A_164 = arith.constant 10 : i32
        %lt3A_165 = arith.cmpi slt, %while3A_160, %lt3A_164 : i32
        %or3A = arith.ori %lt3A_163, %lt3A_165 : i1
        %lt3A_166 = arith.constant 10 : i32
        %lt3A_167 = arith.cmpi slt, %while3A_161, %lt3A_166 : i32
        %or3A_168 = arith.ori %or3A, %lt3A_167 : i1
        %lt3A_169 = arith.constant 10 : i32
        %lt3A_170 = arith.cmpi slt, %while3A_162, %lt3A_169 : i32
        %or3A_171 = arith.ori %or3A_168, %lt3A_170 : i1
        %lt3A_172 = arith.constant 8192 : i32
        %lt3A_173 = arith.cmpi slt, %while3A_158, %lt3A_172 : i32
        %and3A = arith.andi %lt3A_173, %or3A_171 : i1
        scf.condition(%and3A) %while3A_158, %while3A_159, %while3A_160, %while3A_161, %while3A_162 : i32, i32, i32, i32, i32
      } do {
      ^bb0(%while3A_158: i32, %while3A_159: i32, %while3A_160: i32, %while3A_161: i32, %while3A_162: i32):
        %get3A_163 = arith.index_cast %while3A_158 : i32 to index
        %get3A_164 = tpu.vector_load %arg12[%get3A_163] {strides = array<i32>} : memref<8192xf32, #tpu.memory_space<vmem>>, vector<16xf32>,
        %get3A_165 = arith.index_cast %while3A_158 : i32 to index
        %get3A_166 = tpu.vector_load %arg13[%get3A_165] {strides = array<i32>} : memref<8192xf32, #tpu.memory_space<vmem>>, vector<16xf32>,
        %get3A_167 = arith.index_cast %while3A_158 : i32 to index
        %get3A_168 = tpu.vector_load %arg14[%get3A_167] {strides = array<i32>} : memref<8192xf32, #tpu.memory_space<vmem>>, vector<16xf32>,
        %add3A_169 = vector.broadcast %while3A_158 : i32 to vector<16xi32>
        %add3A_170 = arith.addi %add3A_169, %iota3A : vector<16xi32>
        %mul3A_171 = arith.constant 16 : i32
        %mul3A_172 = arith.muli %scan3A_27, %mul3A_171 : i32
        %add3A_173 = arith.constant 12 : i32
        %add3A_174 = arith.addi %mul3A_172, %add3A_173 : i32
        %add3A_175 = arith.constant 0 : i32
        %add3A_176 = arith.addi %add3A_174, %add3A_175 : i32
        %sub3A = vector.broadcast %squeeze3A_128 : f32 to vector<16xf32>
        %sub3A_177 = arith.subf %get3A_164, %sub3A : vector<16xf32>
        %sub3A_178 = vector.broadcast %squeeze3A_130 : f32 to vector<16xf32>
        %sub3A_179 = arith.subf %get3A_166, %sub3A_178 : vector<16xf32>
        %sub3A_180 = vector.broadcast %squeeze3A_132 : f32 to vector<16xf32>
        %sub3A_181 = arith.subf %get3A_168, %sub3A_180 : vector<16xf32>
        %mul3A_182 = arith.mulf %sub3A_177, %sub3A_177 : vector<16xf32>
        %mul3A_183 = arith.mulf %sub3A_179, %sub3A_179 : vector<16xf32>
        %add3A_184 = arith.addf %mul3A_182, %mul3A_183 : vector<16xf32>
        %mul3A_185 = arith.mulf %sub3A_181, %sub3A_181 : vector<16xf32>
        %add3A_186 = arith.addf %add3A_184, %mul3A_185 : vector<16xf32>
        %le3A = arith.constant 6.250000e-02 : f32
        %le3A_187 = vector.broadcast %le3A : f32 to vector<16xf32>
        %le3A_188 = arith.cmpf ole, %add3A_186, %le3A_187 : vector<16xf32>
        %convert_element_type3A = arith.extui %le3A_188 : vector<16xi1> to vector<16xi32>
        %broadcast_in_dim3A_189 = arith.constant true
        %broadcast_in_dim3A_190 = vector.broadcast %broadcast_in_dim3A_189 : i1 to vector<16xi1>
        %masked_cumsum3A = tpu.scan <sum>, %convert_element_type3A masked %broadcast_in_dim3A_190 : vector<16xi32>, vector<16xi1> -> vector<16xi32>
        %sub3A_191 = arith.subi %masked_cumsum3A, %convert_element_type3A : vector<16xi32>
        %all_reduce_population_count3A = tpu.all_reduce %le3A_188 {dim = 0 : i64, kind = #tpu.reduction_kind<sum>} : vector<16xi1> -> vector<16xi32>
        %add3A_192 = vector.broadcast %while3A_159 : i32 to vector<16xi32>
        %add3A_193 = arith.addi %sub3A_191, %add3A_192 : vector<16xi32>
        %lt3A = arith.constant 10 : i32
        %lt3A_194 = vector.broadcast %lt3A : i32 to vector<16xi32>
        %lt3A_195 = arith.cmpi slt, %add3A_193, %lt3A_194 : vector<16xi32>
        %and3A = arith.andi %le3A_188, %lt3A_195 : vector<16xi1>
        %mul3A_196 = arith.constant 16 : i32
        %mul3A_197 = arith.muli %add3A_176, %mul3A_196 : i32
        %add3A_198 = vector.broadcast %mul3A_197 : i32 to vector<16xi32>
        %add3A_199 = arith.addi %add3A_198, %add3A_193 : vector<16xi32>
        tpu.vector_store_idx %arg18[%add3A_199], %add3A_170 masked %and3A : memref<4096xi32, #tpu.memory_space<vmem>>[vector<16xi32>], vector<16xi32>, vector<16xi1>
        tpu.vector_store_idx %arg19[%add3A_199], %get3A_164 masked %and3A : memref<4096xf32, #tpu.memory_space<vmem>>[vector<16xi32>], vector<16xf32>, vector<16xi1>
        tpu.vector_store_idx %arg20[%add3A_199], %get3A_166 masked %and3A : memref<4096xf32, #tpu.memory_space<vmem>>[vector<16xi32>], vector<16xf32>, vector<16xi1>
        tpu.vector_store_idx %arg21[%add3A_199], %get3A_168 masked %and3A : memref<4096xf32, #tpu.memory_space<vmem>>[vector<16xi32>], vector<16xf32>, vector<16xi1>
        %slice3A_200 = vector.extract_strided_slice %all_reduce_population_count3A {offsets = [0], sizes = [1], strides = [1]} : vector<16xi32> to vector<1xi32>
        %squeeze3A_201 = vector.extract %slice3A_200[0] : i32 from vector<1xi32>
        %add3A_202 = arith.addi %while3A_159, %squeeze3A_201 : i32
        %mul3A_203 = arith.constant 16 : i32
        %mul3A_204 = arith.muli %scan3A_27, %mul3A_203 : i32
        %add3A_205 = arith.constant 12 : i32
        %add3A_206 = arith.addi %mul3A_204, %add3A_205 : i32
        %add3A_207 = arith.constant 1 : i32
        %add3A_208 = arith.addi %add3A_206, %add3A_207 : i32
        %sub3A_209 = vector.broadcast %squeeze3A_134 : f32 to vector<16xf32>
        %sub3A_210 = arith.subf %get3A_164, %sub3A_209 : vector<16xf32>
        %sub3A_211 = vector.broadcast %squeeze3A_136 : f32 to vector<16xf32>
        %sub3A_212 = arith.subf %get3A_166, %sub3A_211 : vector<16xf32>
        %sub3A_213 = vector.broadcast %squeeze3A_138 : f32 to vector<16xf32>
        %sub3A_214 = arith.subf %get3A_168, %sub3A_213 : vector<16xf32>
        %mul3A_215 = arith.mulf %sub3A_210, %sub3A_210 : vector<16xf32>
        %mul3A_216 = arith.mulf %sub3A_212, %sub3A_212 : vector<16xf32>
        %add3A_217 = arith.addf %mul3A_215, %mul3A_216 : vector<16xf32>
        %mul3A_218 = arith.mulf %sub3A_214, %sub3A_214 : vector<16xf32>
        %add3A_219 = arith.addf %add3A_217, %mul3A_218 : vector<16xf32>
        %le3A_220 = arith.constant 6.250000e-02 : f32
        %le3A_221 = vector.broadcast %le3A_220 : f32 to vector<16xf32>
        %le3A_222 = arith.cmpf ole, %add3A_219, %le3A_221 : vector<16xf32>
        %convert_element_type3A_223 = arith.extui %le3A_222 : vector<16xi1> to vector<16xi32>
        %broadcast_in_dim3A_224 = arith.constant true
        %broadcast_in_dim3A_225 = vector.broadcast %broadcast_in_dim3A_224 : i1 to vector<16xi1>
        %masked_cumsum3A_226 = tpu.scan <sum>, %convert_element_type3A_223 masked %broadcast_in_dim3A_225 : vector<16xi32>, vector<16xi1> -> vector<16xi32>
        %sub3A_227 = arith.subi %masked_cumsum3A_226, %convert_element_type3A_223 : vector<16xi32>
        %all_reduce_population_count3A_228 = tpu.all_reduce %le3A_222 {dim = 0 : i64, kind = #tpu.reduction_kind<sum>} : vector<16xi1> -> vector<16xi32>
        %add3A_229 = vector.broadcast %while3A_160 : i32 to vector<16xi32>
        %add3A_230 = arith.addi %sub3A_227, %add3A_229 : vector<16xi32>
        %lt3A_231 = arith.constant 10 : i32
        %lt3A_232 = vector.broadcast %lt3A_231 : i32 to vector<16xi32>
        %lt3A_233 = arith.cmpi slt, %add3A_230, %lt3A_232 : vector<16xi32>
        %and3A_234 = arith.andi %le3A_222, %lt3A_233 : vector<16xi1>
        %mul3A_235 = arith.constant 16 : i32
        %mul3A_236 = arith.muli %add3A_208, %mul3A_235 : i32
        %add3A_237 = vector.broadcast %mul3A_236 : i32 to vector<16xi32>
        %add3A_238 = arith.addi %add3A_237, %add3A_230 : vector<16xi32>
        tpu.vector_store_idx %arg18[%add3A_238], %add3A_170 masked %and3A_234 : memref<4096xi32, #tpu.memory_space<vmem>>[vector<16xi32>], vector<16xi32>, vector<16xi1>
        tpu.vector_store_idx %arg19[%add3A_238], %get3A_164 masked %and3A_234 : memref<4096xf32, #tpu.memory_space<vmem>>[vector<16xi32>], vector<16xf32>, vector<16xi1>
        tpu.vector_store_idx %arg20[%add3A_238], %get3A_166 masked %and3A_234 : memref<4096xf32, #tpu.memory_space<vmem>>[vector<16xi32>], vector<16xf32>, vector<16xi1>
        tpu.vector_store_idx %arg21[%add3A_238], %get3A_168 masked %and3A_234 : memref<4096xf32, #tpu.memory_space<vmem>>[vector<16xi32>], vector<16xf32>, vector<16xi1>
        %slice3A_239 = vector.extract_strided_slice %all_reduce_population_count3A_228 {offsets = [0], sizes = [1], strides = [1]} : vector<16xi32> to vector<1xi32>
        %squeeze3A_240 = vector.extract %slice3A_239[0] : i32 from vector<1xi32>
        %add3A_241 = arith.addi %while3A_160, %squeeze3A_240 : i32
        %mul3A_242 = arith.constant 16 : i32
        %mul3A_243 = arith.muli %scan3A_27, %mul3A_242 : i32
        %add3A_244 = arith.constant 12 : i32
        %add3A_245 = arith.addi %mul3A_243, %add3A_244 : i32
        %add3A_246 = arith.constant 2 : i32
        %add3A_247 = arith.addi %add3A_245, %add3A_246 : i32
        %sub3A_248 = vector.broadcast %squeeze3A_140 : f32 to vector<16xf32>
        %sub3A_249 = arith.subf %get3A_164, %sub3A_248 : vector<16xf32>
        %sub3A_250 = vector.broadcast %squeeze3A_142 : f32 to vector<16xf32>
        %sub3A_251 = arith.subf %get3A_166, %sub3A_250 : vector<16xf32>
        %sub3A_252 = vector.broadcast %squeeze3A_144 : f32 to vector<16xf32>
        %sub3A_253 = arith.subf %get3A_168, %sub3A_252 : vector<16xf32>
        %mul3A_254 = arith.mulf %sub3A_249, %sub3A_249 : vector<16xf32>
        %mul3A_255 = arith.mulf %sub3A_251, %sub3A_251 : vector<16xf32>
        %add3A_256 = arith.addf %mul3A_254, %mul3A_255 : vector<16xf32>
        %mul3A_257 = arith.mulf %sub3A_253, %sub3A_253 : vector<16xf32>
        %add3A_258 = arith.addf %add3A_256, %mul3A_257 : vector<16xf32>
        %le3A_259 = arith.constant 6.250000e-02 : f32
        %le3A_260 = vector.broadcast %le3A_259 : f32 to vector<16xf32>
        %le3A_261 = arith.cmpf ole, %add3A_258, %le3A_260 : vector<16xf32>
        %convert_element_type3A_262 = arith.extui %le3A_261 : vector<16xi1> to vector<16xi32>
        %broadcast_in_dim3A_263 = arith.constant true
        %broadcast_in_dim3A_264 = vector.broadcast %broadcast_in_dim3A_263 : i1 to vector<16xi1>
        %masked_cumsum3A_265 = tpu.scan <sum>, %convert_element_type3A_262 masked %broadcast_in_dim3A_264 : vector<16xi32>, vector<16xi1> -> vector<16xi32>
        %sub3A_266 = arith.subi %masked_cumsum3A_265, %convert_element_type3A_262 : vector<16xi32>
        %all_reduce_population_count3A_267 = tpu.all_reduce %le3A_261 {dim = 0 : i64, kind = #tpu.reduction_kind<sum>} : vector<16xi1> -> vector<16xi32>
        %add3A_268 = vector.broadcast %while3A_161 : i32 to vector<16xi32>
        %add3A_269 = arith.addi %sub3A_266, %add3A_268 : vector<16xi32>
        %lt3A_270 = arith.constant 10 : i32
        %lt3A_271 = vector.broadcast %lt3A_270 : i32 to vector<16xi32>
        %lt3A_272 = arith.cmpi slt, %add3A_269, %lt3A_271 : vector<16xi32>
        %and3A_273 = arith.andi %le3A_261, %lt3A_272 : vector<16xi1>
        %mul3A_274 = arith.constant 16 : i32
        %mul3A_275 = arith.muli %add3A_247, %mul3A_274 : i32
        %add3A_276 = vector.broadcast %mul3A_275 : i32 to vector<16xi32>
        %add3A_277 = arith.addi %add3A_276, %add3A_269 : vector<16xi32>
        tpu.vector_store_idx %arg18[%add3A_277], %add3A_170 masked %and3A_273 : memref<4096xi32, #tpu.memory_space<vmem>>[vector<16xi32>], vector<16xi32>, vector<16xi1>
        tpu.vector_store_idx %arg19[%add3A_277], %get3A_164 masked %and3A_273 : memref<4096xf32, #tpu.memory_space<vmem>>[vector<16xi32>], vector<16xf32>, vector<16xi1>
        tpu.vector_store_idx %arg20[%add3A_277], %get3A_166 masked %and3A_273 : memref<4096xf32, #tpu.memory_space<vmem>>[vector<16xi32>], vector<16xf32>, vector<16xi1>
        tpu.vector_store_idx %arg21[%add3A_277], %get3A_168 masked %and3A_273 : memref<4096xf32, #tpu.memory_space<vmem>>[vector<16xi32>], vector<16xf32>, vector<16xi1>
        %slice3A_278 = vector.extract_strided_slice %all_reduce_population_count3A_267 {offsets = [0], sizes = [1], strides = [1]} : vector<16xi32> to vector<1xi32>
        %squeeze3A_279 = vector.extract %slice3A_278[0] : i32 from vector<1xi32>
        %add3A_280 = arith.addi %while3A_161, %squeeze3A_279 : i32
        %mul3A_281 = arith.constant 16 : i32
        %mul3A_282 = arith.muli %scan3A_27, %mul3A_281 : i32
        %add3A_283 = arith.constant 12 : i32
        %add3A_284 = arith.addi %mul3A_282, %add3A_283 : i32
        %add3A_285 = arith.constant 3 : i32
        %add3A_286 = arith.addi %add3A_284, %add3A_285 : i32
        %sub3A_287 = vector.broadcast %squeeze3A_146 : f32 to vector<16xf32>
        %sub3A_288 = arith.subf %get3A_164, %sub3A_287 : vector<16xf32>
        %sub3A_289 = vector.broadcast %squeeze3A_148 : f32 to vector<16xf32>
        %sub3A_290 = arith.subf %get3A_166, %sub3A_289 : vector<16xf32>
        %sub3A_291 = vector.broadcast %squeeze3A_150 : f32 to vector<16xf32>
        %sub3A_292 = arith.subf %get3A_168, %sub3A_291 : vector<16xf32>
        %mul3A_293 = arith.mulf %sub3A_288, %sub3A_288 : vector<16xf32>
        %mul3A_294 = arith.mulf %sub3A_290, %sub3A_290 : vector<16xf32>
        %add3A_295 = arith.addf %mul3A_293, %mul3A_294 : vector<16xf32>
        %mul3A_296 = arith.mulf %sub3A_292, %sub3A_292 : vector<16xf32>
        %add3A_297 = arith.addf %add3A_295, %mul3A_296 : vector<16xf32>
        %le3A_298 = arith.constant 6.250000e-02 : f32
        %le3A_299 = vector.broadcast %le3A_298 : f32 to vector<16xf32>
        %le3A_300 = arith.cmpf ole, %add3A_297, %le3A_299 : vector<16xf32>
        %convert_element_type3A_301 = arith.extui %le3A_300 : vector<16xi1> to vector<16xi32>
        %broadcast_in_dim3A_302 = arith.constant true
        %broadcast_in_dim3A_303 = vector.broadcast %broadcast_in_dim3A_302 : i1 to vector<16xi1>
        %masked_cumsum3A_304 = tpu.scan <sum>, %convert_element_type3A_301 masked %broadcast_in_dim3A_303 : vector<16xi32>, vector<16xi1> -> vector<16xi32>
        %sub3A_305 = arith.subi %masked_cumsum3A_304, %convert_element_type3A_301 : vector<16xi32>
        %all_reduce_population_count3A_306 = tpu.all_reduce %le3A_300 {dim = 0 : i64, kind = #tpu.reduction_kind<sum>} : vector<16xi1> -> vector<16xi32>
        %add3A_307 = vector.broadcast %while3A_162 : i32 to vector<16xi32>
        %add3A_308 = arith.addi %sub3A_305, %add3A_307 : vector<16xi32>
        %lt3A_309 = arith.constant 10 : i32
        %lt3A_310 = vector.broadcast %lt3A_309 : i32 to vector<16xi32>
        %lt3A_311 = arith.cmpi slt, %add3A_308, %lt3A_310 : vector<16xi32>
        %and3A_312 = arith.andi %le3A_300, %lt3A_311 : vector<16xi1>
        %mul3A_313 = arith.constant 16 : i32
        %mul3A_314 = arith.muli %add3A_286, %mul3A_313 : i32
        %add3A_315 = vector.broadcast %mul3A_314 : i32 to vector<16xi32>
        %add3A_316 = arith.addi %add3A_315, %add3A_308 : vector<16xi32>
        tpu.vector_store_idx %arg18[%add3A_316], %add3A_170 masked %and3A_312 : memref<4096xi32, #tpu.memory_space<vmem>>[vector<16xi32>], vector<16xi32>, vector<16xi1>
        tpu.vector_store_idx %arg19[%add3A_316], %get3A_164 masked %and3A_312 : memref<4096xf32, #tpu.memory_space<vmem>>[vector<16xi32>], vector<16xf32>, vector<16xi1>
        tpu.vector_store_idx %arg20[%add3A_316], %get3A_166 masked %and3A_312 : memref<4096xf32, #tpu.memory_space<vmem>>[vector<16xi32>], vector<16xf32>, vector<16xi1>
        tpu.vector_store_idx %arg21[%add3A_316], %get3A_168 masked %and3A_312 : memref<4096xf32, #tpu.memory_space<vmem>>[vector<16xi32>], vector<16xf32>, vector<16xi1>
        %slice3A_317 = vector.extract_strided_slice %all_reduce_population_count3A_306 {offsets = [0], sizes = [1], strides = [1]} : vector<16xi32> to vector<1xi32>
        %squeeze3A_318 = vector.extract %slice3A_317[0] : i32 from vector<1xi32>
        %add3A_319 = arith.addi %while3A_162, %squeeze3A_318 : i32
        %add3A_320 = arith.constant 16 : i32
        %add3A_321 = arith.addi %while3A_158, %add3A_320 : i32
        scf.yield %add3A_321, %add3A_202, %add3A_241, %add3A_280, %add3A_319 : i32, i32, i32, i32, i32
      }
      %scan3A_157 = arith.constant 0 : i32
      scf.yield %scan3A_157 : i32
    }
    %scan3A_18 = arith.constant 16 : i32
    %mul3A_19 = arith.constant 16 : i32
    %mul3A_20 = arith.muli %mul3A_2, %mul3A_19 : i32
    "tpu.region"() ({
      %run_scoped3A = tpu.sem_alloc : memref<!tpu.dma_semaphore, #tpu.memory_space<semaphore_mem>>
      %dma_start3A = tpu.memref_slice %arg8[%mul3A_20] : memref<131072xi32, #tpu.memory_space<hbm>> -> memref<4096xi32, #tpu.memory_space<hbm>>
      %dma_start3A_27 = tpu.memref_slice %arg8[%mul3A_20] : memref<131072xi32, #tpu.memory_space<hbm>> -> memref<4096xi32, #tpu.memory_space<hbm>>
      tpu.enqueue_dma source(%arg18 : memref<4096xi32, #tpu.memory_space<vmem>>) target(%dma_start3A_27 : memref<4096xi32, #tpu.memory_space<hbm>>) target_semaphore(%run_scoped3A : memref<!tpu.dma_semaphore, #tpu.memory_space<semaphore_mem>>)
      %dma_wait3A = tpu.memref_slice %arg8[%mul3A_20] : memref<131072xi32, #tpu.memory_space<hbm>> -> memref<4096xi32, #tpu.memory_space<hbm>>
      %dma_wait3A_28 = tpu.memref_slice %arg8[%mul3A_20] : memref<131072xi32, #tpu.memory_space<hbm>> -> memref<4096xi32, #tpu.memory_space<hbm>>
      tpu.wait_dma2 semaphore(%run_scoped3A : memref<!tpu.dma_semaphore, #tpu.memory_space<semaphore_mem>>) src(%arg18 : memref<4096xi32, #tpu.memory_space<vmem>>) dst(%dma_wait3A_28 : memref<4096xi32, #tpu.memory_space<hbm>>)
      tpu.yield
    }) : () -> ()
    %mul3A_21 = arith.constant 16 : i32
    %mul3A_22 = arith.muli %mul3A_2, %mul3A_21 : i32
    "tpu.region"() ({
      %run_scoped3A = tpu.sem_alloc : memref<!tpu.dma_semaphore, #tpu.memory_space<semaphore_mem>>
      %dma_start3A = tpu.memref_slice %arg9[%mul3A_22] : memref<131072xf32, #tpu.memory_space<hbm>> -> memref<4096xf32, #tpu.memory_space<hbm>>
      %dma_start3A_27 = tpu.memref_slice %arg9[%mul3A_22] : memref<131072xf32, #tpu.memory_space<hbm>> -> memref<4096xf32, #tpu.memory_space<hbm>>
      tpu.enqueue_dma source(%arg19 : memref<4096xf32, #tpu.memory_space<vmem>>) target(%dma_start3A_27 : memref<4096xf32, #tpu.memory_space<hbm>>) target_semaphore(%run_scoped3A : memref<!tpu.dma_semaphore, #tpu.memory_space<semaphore_mem>>)
      %dma_wait3A = tpu.memref_slice %arg9[%mul3A_22] : memref<131072xf32, #tpu.memory_space<hbm>> -> memref<4096xf32, #tpu.memory_space<hbm>>
      %dma_wait3A_28 = tpu.memref_slice %arg9[%mul3A_22] : memref<131072xf32, #tpu.memory_space<hbm>> -> memref<4096xf32, #tpu.memory_space<hbm>>
      tpu.wait_dma2 semaphore(%run_scoped3A : memref<!tpu.dma_semaphore, #tpu.memory_space<semaphore_mem>>) src(%arg19 : memref<4096xf32, #tpu.memory_space<vmem>>) dst(%dma_wait3A_28 : memref<4096xf32, #tpu.memory_space<hbm>>)
      tpu.yield
    }) : () -> ()
    %mul3A_23 = arith.constant 16 : i32
    %mul3A_24 = arith.muli %mul3A_2, %mul3A_23 : i32
    "tpu.region"() ({
      %run_scoped3A = tpu.sem_alloc : memref<!tpu.dma_semaphore, #tpu.memory_space<semaphore_mem>>
      %dma_start3A = tpu.memref_slice %arg10[%mul3A_24] : memref<131072xf32, #tpu.memory_space<hbm>> -> memref<4096xf32, #tpu.memory_space<hbm>>
      %dma_start3A_27 = tpu.memref_slice %arg10[%mul3A_24] : memref<131072xf32, #tpu.memory_space<hbm>> -> memref<4096xf32, #tpu.memory_space<hbm>>
      tpu.enqueue_dma source(%arg20 : memref<4096xf32, #tpu.memory_space<vmem>>) target(%dma_start3A_27 : memref<4096xf32, #tpu.memory_space<hbm>>) target_semaphore(%run_scoped3A : memref<!tpu.dma_semaphore, #tpu.memory_space<semaphore_mem>>)
      %dma_wait3A = tpu.memref_slice %arg10[%mul3A_24] : memref<131072xf32, #tpu.memory_space<hbm>> -> memref<4096xf32, #tpu.memory_space<hbm>>
      %dma_wait3A_28 = tpu.memref_slice %arg10[%mul3A_24] : memref<131072xf32, #tpu.memory_space<hbm>> -> memref<4096xf32, #tpu.memory_space<hbm>>
      tpu.wait_dma2 semaphore(%run_scoped3A : memref<!tpu.dma_semaphore, #tpu.memory_space<semaphore_mem>>) src(%arg20 : memref<4096xf32, #tpu.memory_space<vmem>>) dst(%dma_wait3A_28 : memref<4096xf32, #tpu.memory_space<hbm>>)
      tpu.yield
    }) : () -> ()
    %mul3A_25 = arith.constant 16 : i32
    %mul3A_26 = arith.muli %mul3A_2, %mul3A_25 : i32
    "tpu.region"() ({
      %run_scoped3A = tpu.sem_alloc : memref<!tpu.dma_semaphore, #tpu.memory_space<semaphore_mem>>
      %dma_start3A = tpu.memref_slice %arg11[%mul3A_26] : memref<131072xf32, #tpu.memory_space<hbm>> -> memref<4096xf32, #tpu.memory_space<hbm>>
      %dma_start3A_27 = tpu.memref_slice %arg11[%mul3A_26] : memref<131072xf32, #tpu.memory_space<hbm>> -> memref<4096xf32, #tpu.memory_space<hbm>>
      tpu.enqueue_dma source(%arg21 : memref<4096xf32, #tpu.memory_space<vmem>>) target(%dma_start3A_27 : memref<4096xf32, #tpu.memory_space<hbm>>) target_semaphore(%run_scoped3A : memref<!tpu.dma_semaphore, #tpu.memory_space<semaphore_mem>>)
      %dma_wait3A = tpu.memref_slice %arg11[%mul3A_26] : memref<131072xf32, #tpu.memory_space<hbm>> -> memref<4096xf32, #tpu.memory_space<hbm>>
      %dma_wait3A_28 = tpu.memref_slice %arg11[%mul3A_26] : memref<131072xf32, #tpu.memory_space<hbm>> -> memref<4096xf32, #tpu.memory_space<hbm>>
      tpu.wait_dma2 semaphore(%run_scoped3A : memref<!tpu.dma_semaphore, #tpu.memory_space<semaphore_mem>>) src(%arg21 : memref<4096xf32, #tpu.memory_space<vmem>>) dst(%dma_wait3A_28 : memref<4096xf32, #tpu.memory_space<hbm>>)
      tpu.yield
    }) : () -> ()
    return
  }
}

</mosaic_0001>

<sc_bundles>
// kernel: kernel.3.cloned.1.call-start
scs
__scs_entry_jumppad:
0x0: {  	(pc) =	sbr.rel $0x88, $3  }
0x1: {  	(tag) =	ssettag $0x0;
	lr =	simm.s32 $0x1  }
0x2: {  	[smem:$0x3F9F] =	sst lr;
	_ =	strace $0xD0000000  }
0x3: {  	_ = 	snop  }
0x4: {  	_ = 	snop  }
0x5: {  	_ = 	snop  }
0x6: {  	_ = 	snop  }
0x7: {  	_ = 	snop  }
__scs_overlays_trampoline_lowered:
0x8: {  	[smem:$0x3FAE] =	sst s0  }
0x9: {  	[smem:$0x3FAF] =	sst s1  }
0xa: {  	[smem:$0x3FB0] =	sst s2  }
0xb: {  	[smem:$0x3FB1] =	sst s3  }
0xc: {  	[smem:$0x3FB2] =	sst s4  }
0xd: {  	[smem:$0x3FB3] =	sst s5  }
0xe: {  	[smem:$0x3FB4] =	sst s6  }
0xf: {  	[smem:$0x3FB5] =	sst s7  }
0x10: {  	[smem:$0x3FB6] =	sst s8  }
0x11: {  	[smem:$0x3FB7] =	sst s9;
	s0 =	simm.s32 @!p0 $0x0  }
0x12: {  	s1 =	sld [smem:$0x3F9D];
	s0 =	simm.s32 @p0 $0x1  }
0x13: {  	[smem:$0x3FB8] =	sst s0;
	s0 =	simm.s32 @!p1 $0x0  }
0x14: {  	s2 =	sld [smem:$0x3F9C];
	s0 =	simm.s32 @p1 $0x1  }
0x15: {  	[smem:$0x3FB9] =	sst s0;
	s0 =	simm.s32 @!p2 $0x0  }
0x16: {  	s3 =	sld [smem:$0x3FDB];
	s0 =	simm.s32 @p2 $0x1  }
0x17: {  	s4 =	simm.s32 $0x1BF5;
	[smem:$0x3FBB] =	sst s0  }
0x18: {  	s0 =	sld [smem:$0x3F9E];
	_ =	swait.ge [sflag:s4], $0x0  }
0x19: {  	s7 =	sld [smem:$0x3F9F]  }
0x1a: {  	s8 =	sadd.s32 $0xFFFFE003, lr  }
0x1b: {  	s9 =	sadd.s32 $0xFFFFFEF7, lr;
	s5 =	simm.s32 $0xFFFFFFFF;
	p2 =	slt.u32 s8, $0xFFFFF086  }
0x1c: {  	p1 =	slt.u32 s9, $0xF7A;
	s5 =	simm.s32 @!p2 $0x0  }
0x1d: {  	s5 =	simm.s32 @p1 $0x1;
	p0 =	seq.s32 s7, s2  }
0x1e: {  	s7 =	smul.u32 @!p0 $0xF7A, s2;
	p2 =	seq.s32 @!p0 s5, $0x0  }
0x1f: {  	s9 =	smul.u32 $0xF7A, s1;
	s8 =	simm.s32 @!p0 $0x1BF5;
	p2 =	por !p2, p0  }
0x20: {  	[sflag:s8] =	ssyncset.s32 @!p0 $0xFFFFF086;
	s6 =	sadd.s32 @!p0 s3, s7;
	s7 =	simm.s32 @!p0 $0x108  }
0x21: {  	s3 =	sadd.s32 s3, s9;
	s6 =	sadd.s32 @!p0 $0x88, s6;
	s7 =	simm.s32 @p2 $0x1082  }
0x22: {  	[simem:s7], [sflag:s8] =	dma.local @!p0 [hbm:s6], $0xF7A  }
0x23: {  	s9 =	sor.u32 $0xD0000000, s2;
	s6 =	simm.s32 $0x108;
	_ =	swait.ge @!p0 [sflag:s8], $0x0  }
0x24: {  	s3 =	sadd.s32 $0x88, s3;
	s6 =	simm.s32 @!p1 $0x1082;
	[sflag:s4] =	ssyncset.s32 $0xFFFFF086  }
0x25: {  	[simem:s6], [sflag:s4] =	dma.local [hbm:s3], $0xF7A  }
0x26: {  	[smem:$0x3F9F] =	sst s1;
	(tag) =	ssettag s2;
	_ =	strace s9  }
0x27: {  	s1 =	sld [smem:$0x3FAF]  }
0x28: {  	s2 =	sld [smem:$0x3FB0]  }
0x29: {  	s4 =	sld [smem:$0x3FB2]  }
0x2a: {  	p0 =	seq.s32 s5, $0x0;
	s5 =	sld [smem:$0x3FB3]  }
0x2b: {  	s6 =	sld [smem:$0x3FB4]  }
0x2c: {  	s7 =	sld [smem:$0x3FB5]  }
0x2d: {  	s3 =	simm.s32 $0x108;
	s8 =	sld [smem:$0x3FB6]  }
0x2e: {  	s3 =	simm.s32 @!p0 $0x1082;
	s9 =	sld [smem:$0x3FB7]  }
0x2f: {  	lr =	sadd.s32 s0, s3;
	s0 =	sld [smem:$0x3FAE]  }
0x30: {  	s3 =	sld [smem:$0x3FB1]  }
0x31: {  	[smem:$0x3FBA] =	sst s10  }
0x32: {  	s10 =	sld [smem:$0x3FB8];
	_ =	sdelay $0x3  }
0x33: {  	p0 =	seq.s32 s10, $0x1;
	s10 =	sld [smem:$0x3FBA];
	_ =	sdelay $0x3  }
0x34: {  	[smem:$0x3FBA] =	sst s10  }
0x35: {  	s10 =	sld [smem:$0x3FB9];
	_ =	sdelay $0x3  }
0x36: {  	p1 =	seq.s32 s10, $0x1;
	s10 =	sld [smem:$0x3FBA];
	_ =	sdelay $0x3  }
0x37: {  	[smem:$0x3FBA] =	sst s10  }
0x38: {  	s10 =	sld [smem:$0x3FBB]  }
0x39: {  	_ = 	snop;
	(pc) =	sbr.ind lr, $3  }
0x3a: {  	_ = 	snop  }
0x3b: {  	_ = 	snop  }
0x3c: {  	p2 =	seq.s32 s10, $0x1;
	s10 =	sld [smem:$0x3FBA]  }
0x3d: {  	_ =	shalt  }
0x3e: {  	_ =	shalt  }
0x3f: {  	_ =	shalt  }
0x40: {  	_ =	shalt  }
0x41: {  	_ =	shalt  }
0x42: {  	_ =	shalt  }
0x43: {  	_ =	shalt  }
0x44: {  	_ =	shalt  }
0x45: {  	_ =	shalt  }
0x46: {  	_ =	shalt  }
0x47: {  	_ =	shalt  }
0x48: {  	_ =	shalt  }
0x49: {  	_ =	shalt  }
0x4a: {  	_ =	shalt  }
0x4b: {  	_ =	shalt  }
0x4c: {  	_ =	shalt  }
0x4d: {  	_ =	shalt  }
0x4e: {  	_ =	shalt  }
0x4f: {  	_ =	shalt  }
0x50: {  	_ =	shalt  }
0x51: {  	_ =	shalt  }
0x52: {  	_ =	shalt  }
0x53: {  	_ =	shalt  }
0x54: {  	_ =	shalt  }
0x55: {  	_ =	shalt  }
0x56: {  	_ =	shalt  }
0x57: {  	_ =	shalt  }
0x58: {  	_ =	shalt  }
0x59: {  	_ =	shalt  }
0x5a: {  	_ =	shalt  }
0x5b: {  	_ =	shalt  }
0x5c: {  	_ =	shalt  }
0x5d: {  	_ =	shalt  }
0x5e: {  	_ =	shalt  }
0x5f: {  	_ =	shalt  }
0x60: {  	_ =	shalt  }
0x61: {  	_ =	shalt  }
0x62: {  	_ =	shalt  }
0x63: {  	_ =	shalt  }
0x64: {  	_ =	shalt  }
0x65: {  	_ =	shalt  }
0x66: {  	_ =	shalt  }
0x67: {  	_ =	shalt  }
0x68: {  	_ =	shalt  }
0x69: {  	_ =	shalt  }
0x6a: {  	_ =	shalt  }
0x6b: {  	_ =	shalt  }
0x6c: {  	_ =	shalt  }
0x6d: {  	_ =	shalt  }
0x6e: {  	_ =	shalt  }
0x6f: {  	_ =	shalt  }
0x70: {  	_ =	shalt  }
0x71: {  	_ =	shalt  }
0x72: {  	_ =	shalt  }
0x73: {  	_ =	shalt  }
0x74: {  	_ =	shalt  }
0x75: {  	_ =	shalt  }
0x76: {  	_ =	shalt  }
0x77: {  	_ =	shalt  }
0x78: {  	_ =	shalt  }
0x79: {  	_ =	shalt  }
0x7a: {  	_ =	shalt  }
0x7b: {  	_ =	shalt  }
0x7c: {  	_ =	shalt  }
0x7d: {  	_ =	shalt  }
0x7e: {  	_ =	shalt  }
0x7f: {  	_ =	shalt  }
0x80: {  	_ =	shalt  }
0x81: {  	_ =	shalt  }
0x82: {  	_ =	shalt  }
0x83: {  	_ =	shalt  }
0x84: {  	_ =	shalt  }
0x85: {  	_ =	shalt  }
0x86: {  	_ =	shalt  }
0x87: {  	_ =	shalt  }
.Lfunc_end0:
.L_simem_size_0:
called_computation_lowered:
.L_overlay_start_0:
0x88: {  	s2 =	sld [smem:$0x3FD9]  }
0x89: {  	s3 =	sld [smem:$0x3FFE];
	_ =	sdelay $0x1  }
0x8a: {  	s1 =	srdreg.scid  }
0x8b: {  	s0 =	sand.u32 $0x1, s1  }
0x8c: {  	s14 =	sshll.u32 s0, $0xA;
	s2 =	sadd.s32 s3, s2  }
0x8d: {  	s2 =	sadd.s32 s2, s14  }
0x8e: {  	[smem:$0x3FC6] =	sst s2  }
0x8f: {  	_ = 	snop  }
0x90: {  	s2 =	sld [smem:$0x3FD0];
	_ =	sdelay $0x2  }
0x91: {  	s15 =	simm.s32 $0xA;
	s4 =	simm.s32 $0x10  }
0x92: {  	[smem:s4], [sflag:s15] =	dma.local [hbm:s2], $0x1  }
0x93: {  	_ =	swait.eq [sflag:s15], $0x1  }
0x94: {  	[sflag:s15] =	ssyncset.done $0x0  }
0x95: {  	s16 =	sld [smem:$0x10];
	[sflag:s15] =	ssyncadd.s32 $0xFFFFFFFF  }
0x96: {  	s17 =	sld [smem:$0x11];
	(tm) =	ssettm $0x1  }
0x97: {  	s18 =	sld [smem:$0x3FFB];
	_ =	sdelay $0x3  }
0x98: {  	_ =	strace s18  }
0x99: {  	s4 =	sld [smem:$0x3FFC];
	_ =	sdelay $0x3  }
0x9a: {  	_ =	strace s4  }
0x9b: {  	s4 =	sld [smem:$0x3FFD];
	_ =	sdelay $0x3  }
0x9c: {  	_ =	strace s4  }
0x9d: {  	_ =	strace $0x8FFFFFFF  }
0x9e: {  	s19 =	sld [smem:$0x3FDB];
	_ =	sdelay $0x1  }
0x9f: {  	s5 =	simm.s32 $_scs_section_size  }
0xa0: {  	s6 =	simm.s32 $_size__tile_overlayer_lowered;
	s7 =	simm.s32 $_tile_overlayer_lowered  }
0xa1: {  	s22 =	simm.s32 $0x1BFF;
	s21 =	sshll.u32 s7, $0x1;
	s4 =	sadd.s32 s5, s19  }
0xa2: {  	s8 =	simm.s32 $0x0;
	s20 =	sshll.u32 s6, $0x1;
	s6 =	sadd.s32 s21, s4  }
0xa3: {  	[timem:s8], [sflag:s22] =	dma.local [hbm:s6], s20  }
0xa4: {  	_ =	swait.ge [sflag:s22], s20  }
0xa5: {  	s5 =	ssub.s32 $0x0, s20;
	[sflag:s22] =	ssyncset.done $0x0  }
0xa6: {  	[sflag:s22] =	ssyncadd.s32 s5;
	_ =	sdelay $0x1  }
0xa7: {  	s23 =	simm.s32 $0x1B8B  }
0xa8: {  	_ =	swait.ge [sflag:s23], $0x1  }
0xa9: {  	[sflag:s23] =	ssyncset.done $0x0  }
0xaa: {  	s25 =	simm.s32 $0x1B8E;
	s24 =	sld [smem:$0x3FFE];
	[sflag:s23] =	ssyncadd.s32 $0xFFFFFFFF  }
0xab: {  	s26 =	simm.s32 $execute0_lowered;
	[smem:$0x3FD2] =	sst s25  }
0xac: {  	s6 =	sshll.u32 s26, $0x1;
	_ =	strace $0x80000046;
	[dreg:$0x1] =	wrdreg $0xFFFFFFFF  }
0xad: {  	s28 =	simm.s32 $_size_execute0_lowered;
	s4 =	sadd.s32 s4, s6;
	[dreg:$0x0] =	wrdreg $0x0  }
0xae: {  	s6 =	sshll.u32 s28, $0x1;
	[dreg:$0x2] =	wrdreg s4  }
0xaf: {  	[dreg:$0x3] =	wrdreg s6  }
0xb0: {  	[dreg:$0x4] =	wrdreg $0xC0  }
0xb1: {  	_ =	task [dreg:s8], $0x5FFFF  }
0xb2: {  	[dreg:$0x1] =	wrdreg $0xFFFFFFFF  }
0xb3: {  	[dreg:$0x0] =	wrdreg $0x60  }
0xb4: {  	[dreg:$0x2] =	wrdreg s24  }
0xb5: {  	[dreg:$0x3] =	wrdreg s16  }
0xb6: {  	[dreg:$0x4] =	wrdreg s17  }
0xb7: {  	[dreg:$0x5] =	wrdreg $0x9  }
0xb8: {  	_ =	task.clear_ibuf [dreg:s8], $0x6FFFF;
	_ =	strace $0x90000046  }
0xb9: {  	s29 =	simm.s32 $0x9;
	_ =	strace $0x80000048  }
0xba: {  	_ =	swait.ge [sflag:s29], $0x1  }
0xbb: {  	[sflag:s29] =	ssyncadd.s32 $0xFFFFFFFF  }
0xbc: {  	_ =	strace $0x90000048  }
0xbd: {  	_ =	sfence  }
0xbe: {  	s30 =	sld [smem:$0x0];
	_ =	sdelay $0x2  }
0xbf: {  	s31 =	sshll.u32 s1, $0xD;
	s1 =	sshrl.u32 s1, $0x2  }
0xc0: {  	s3 =	sand.u32 $0x4000, s31;
	s1 =	sadd.s32 s1, s30  }
0xc1: {  	s0 =	sor.u32 s3, s0;
	s1 =	sshll.u32 s1, $0x11  }
0xc2: {  	s0 =	sor.u32 s1, s0  }
0xc3: {  	s0 =	sadd.s32 $0x8F2B, s0  }
0xc4: {  	[sflag:s0] =	ssyncadd.remote.s32 $0x1  }
0xc5: {  	_ =	sfence.sel $0xFFFF  }
0xc6: {  	[dreg:$0x0] =	wrdreg $0xFFFFFFFF;
	(pc) =	sbr.abs _section_cstart, $3  }
0xc7: {  	[dreg:$0x1] =	wrdreg $0xFFFFFFFF  }
0xc8: {  	_ =	task.clear_ibuf [dreg:s8], $0x2FFFF;
	_ =	strace $0x9FFFFFFF  }
0xc9: {  	(tm) =	ssettm $0x7FFFFFFF  }
tec
execute0_lowered:
.L_overlay_start_1:
0x0: {  	(tag) =	ssettag $0x1  }
0x1: {  	s0 =	rddreg [dreg:$0x0]  }
0x2: {  	s1 =	rddreg [dreg:$0x2];
	s3 =	simm.s32 $0x0;
	s2 =	srdreg.scid  }
0x3: {  	s4 =	stileid.u32;
	s14 =	simm.s32 $0x1;
	s19 =	simm.s32 $0x6200  }
0x4: {  	s20 =	simm.s32 $0x6300;
	s21 =	simm.s32 $0x7300;
	s22 =	simm.s32 $0x8300  }
0x5: {  	s23 =	simm.s32 $0x9300;
	s24 =	simm.s32 $0x0;
	[smem:$0x7FF] =	sst s3  }
0x6: {  	s2 =	sand.u32 $0x1, s2;
	s5 =	sshll.u32 s4, $0x1;
	s4 =	sadd.s32 $0x1600, s0  }
0x7: {  	_ =	strace $0x80000047;
	s6 =	sor.u32 s2, s5;
	s5 =	sadd.s32 $0x1200, s0  }
0x8: {  	s2 =	ssub.s32 $0x2, s2;
	s7 =	sshll.u32 s6, $0x5;
	s9 =	sshll.u32 s6, $0x9  }
0x9: {  	s31 =	sshrl.u32 s2, $0x1;
	s8 =	sadd.s32 s7, s0;
	s0 =	sadd.s32 s9, s0  }
0xa: {  	s2 =	ssub.s32 s2, s31;
	s9 =	sadd.s32 s1, s9;
	s6 =	sadd.s32 $0x2200, s8  }
0xb: {  	s7 =	sadd.s32 $0x1E00, s8;
	s8 =	sadd.s32 $0x1A00, s8;
	s10 =	sadd.s32 $0x2600, s0  }
0xc: {  	v0 =	vimm.s32 $0x0;
	v1 =	vimm.f32 $0.0e+00;
	v2 =	vlaneseq.u32;
	s11 =	sadd.s32 $0x6600, s0;
	s12 =	sadd.s32 $0xA600, s0;
	s13 =	smax.u32 s2, $0x1  }
.LBB2_1:
0xd: {  	[tilespmem:s3], [sflag:$0x1] =	stream.linear.gather [hbm4b:s4+s3], $0x2000, $0x38;
	[tilespmem:$0xA300] =	vst v63  }
0xe: {  	_ =	swait.ge [sflag:s14], $0x2000  }
0xf: {  	[sflag:s14] =	ssyncset.done $0x0  }
0x10: {  	s0 =	simm.s32 $0x2000;
	[sflag:s14] =	ssyncadd.s32 $0xFFFFE000  }
0x11: {  	[tilespmem:s0], [sflag:$0x1] =	stream.linear.gather [hbm4b:s5+s3], $0x2000, $0x38;
	[tilespmem:$0xA300] =	vst v63  }
0x12: {  	_ =	swait.ge [sflag:s14], $0x2000  }
0x13: {  	[sflag:s14] =	ssyncset.done $0x0  }
0x14: {  	[sflag:s14] =	ssyncadd.s32 $0xFFFFE000  }
0x15: {  	s1 =	simm.s32 $0x4000;
	s29 =	rddreg [dreg:$0x1]  }
0x16: {  	[tilespmem:s1], [sflag:$0x1] =	stream.linear.gather [hbm4b:s29+s3], $0x2000, $0x38;
	[tilespmem:$0xA300] =	vst v63  }
0x17: {  	_ =	swait.ge [sflag:s14], $0x2000  }
0x18: {  	[sflag:s14] =	ssyncset.done $0x0  }
0x19: {  	s30 =	simm.s32 $0x6000;
	[sflag:s14] =	ssyncadd.s32 $0xFFFFE000  }
0x1a: {  	[tilespmem:s30], [sflag:$0x1] =	stream.linear.gather [hbm4b:s6+s3], $0x100, $0x38;
	[tilespmem:$0xA300] =	vst v63  }
0x1b: {  	_ =	swait.ge [sflag:s14], $0x100  }
0x1c: {  	[sflag:s14] =	ssyncset.done $0x0  }
0x1d: {  	s31 =	simm.s32 $0x6100;
	[sflag:s14] =	ssyncadd.s32 $0xFFFFFF00  }
0x1e: {  	[tilespmem:s31], [sflag:$0x1] =	stream.linear.gather [hbm4b:s7+s3], $0x100, $0x38;
	[tilespmem:$0xA300] =	vst v63  }
0x1f: {  	_ =	swait.ge [sflag:s14], $0x100  }
0x20: {  	[sflag:s14] =	ssyncset.done $0x0  }
0x21: {  	[sflag:s14] =	ssyncadd.s32 $0xFFFFFF00  }
0x22: {  	[tilespmem:s19], [sflag:$0x1] =	stream.linear.gather [hbm4b:s8+s3], $0x100, $0x38;
	[tilespmem:$0xA300] =	vst v63  }
0x23: {  	_ =	swait.ge [sflag:s14], $0x100  }
0x24: {  	[sflag:s14] =	ssyncset.done $0x0  }
0x25: {  	s0 =	simm.s32 $0x0;
	s1 =	simm.s32 $0x40;
	[sflag:s14] =	ssyncadd.s32 $0xFFFFFF00  }
.LBB2_2:
0x26: {  	p0 =	sne.s32 s1, $0x3FC0;
	[tilespmem:s0+$0x9300] =	vst v1;
	s2 =	smov.u32 s1;
	s1 =	sadd.s32 $0x40, s1  }
.Ltmp0:
0x27: {  	[tilespmem:s0+$0x8300] =	vst v1;
	(pc) =	sbr.rel @p0 .LBB2_2-.Ltmp0, $3  }
0x28: {  	[tilespmem:s0+$0x6300] =	vst v0  }
0x29: {  	[tilespmem:s0+$0x7300] =	vst v1;
	_ =	sdelay $0x1  }
0x2a: {  	s0 =	sshra.s32 s2, $0x2  }
0x2b: {  	[tilespmem:s0+$0x9300] =	vst v1  }
0x2c: {  	[tilespmem:s0+$0x8300] =	vst v1  }
0x2d: {  	[tilespmem:s0+$0x6300] =	vst v0  }
0x2e: {  	s25 =	simm.s32 $0x0;
	[tilespmem:s0+$0x7300] =	vst v1  }
.LBB2_4:
0x2f: {  	s0 =	sshll.u32 s25, $0x4  }
0x30: {  	v5 =	vld [tilespmem:s0+$0x6000]  }
0x31: {  	v3 =	vld [tilespmem:s0+$0x6100]  }
0x32: {  	v4 =	vld [tilespmem:s0+$0x6200];
	_ =	sdelay $0x3  }
0x33: {  	v6 =	vbroadcast v5, $0x0;
	v7 =	vbroadcast v3, $0x0  }
0x34: {  	s26 =	sshll.u32 s25, $0x8;
	v8 =	vbroadcast v4, $0x0;
	v9 =	vbroadcast v5, $0x1  }
0x35: {  	s28 =	simm.s32 $0x4000;
	v10 =	vmov s26;
	s18 =	sor.u32 $0x10, s26;
	v11 =	vbroadcast v3, $0x1;
	v12 =	vbroadcast v4, $0x1  }
0x36: {  	s29 =	simm.s32 $0x2000;
	s30 =	simm.s32 $0x0;
	s1 =	sor.u32 $0x20, s26;
	v13 =	vmov s18;
	v14 =	vbroadcast v5, $0x2;
	v15 =	vbroadcast v3, $0x2  }
0x37: {  	s31 =	simm.s32 $0x0;
	s15 =	simm.s32 $0x0;
	s2 =	sor.u32 $0x30, s26;
	v17 =	vmov s1;
	v16 =	vbroadcast v4, $0x2;
	v18 =	vbroadcast v5, $0x3  }
0x38: {  	s0 =	simm.s32 $0x0;
	v21 =	vmov s2;
	s2 =	simm.s32 $0x0;
	s1 =	simm.s32 $0x0;
	v19 =	vbroadcast v3, $0x3;
	v20 =	vbroadcast v4, $0x3  }
.LBB2_5:
0x39: {  	v22 =	vld [tilespmem:s30+$0x0]  }
0x3a: {  	v23 =	vld [tilespmem:s29+$0x0]  }
0x3b: {  	v24 =	vld [tilespmem:s28+$0x0];
	_ =	sdelay $0x3  }
0x3c: {  	v25 =	vsub.f32 v22, v6;
	v26 =	vsub.f32 v23, v7  }
0x3d: {  	v27 =	vsub.f32 v24, v8  }
0x3e: {  	v37 =	vsub.f32 v22, v9;
	v25 =	vmul.f32 v25, v25;
	v26 =	vmul.f32 v26, v26  }
0x3f: {  	v28 =	vsub.f32 v23, v11;
	v38 =	vsub.f32 v24, v12  }
0x40: {  	v41 =	vsub.f32 v22, v14;
	v36 =	vmul.f32 v27, v27;
	v25 =	vadd.f32 v26, v25  }
0x41: {  	v29 =	vsub.f32 v23, v15;
	v42 =	vsub.f32 v24, v16  }
0x42: {  	v27 =	vmul.f32 v37, v37;
	v28 =	vmul.f32 v28, v28;
	v25 =	vadd.f32 v36, v25  }
0x43: {  	v30 =	vsub.f32 v22, v18;
	v31 =	vsub.f32 v23, v19  }
0x44: {  	v29 =	vmul.f32 v29, v29;
	v39 =	vadd.f32 v28, v27;
	vm0 =	vle.f32 v25, $6.250000000e-02  }
0x45: {  	v26 =	vmul.f32 v38, v38;
	v28 =	vmul.f32 v41, v41;
	v40 =	vsel vm0, $0x1, v0  }
0x46: {  	v44 =	vsub.f32 v24, v20;
	v45 =	vmul.f32 v30, v30;
	v46 =	vmul.f32 v31, v31;
	(xrf0) =	vadd.scan.msk.s32 $0xffff, v40  }
0x47: {  	v43 =	vadd.f32 v29, v28;
	v25 =	vadd.f32 v26, v39;
	v26 =	vmul.f32 v42, v42  }
0x48: {  	v48 =	vadd.f32 v46, v45;
	v28 =	vmul.f32 v44, v44  }
0x49: {  	vm1 =	vle.f32 v25, $6.250000000e-02;
	v25 =	vadd.f32 v26, v43  }
0x4a: {  	v50 =	vmpcnt.ones.xlane vm0;
	v26 =	vadd.f32 v28, v48  }
0x4b: {  	v47 =	vsel vm1, $0x1, v0;
	v51 =	vmpcnt.ones.xlane vm1;
	vm2 =	vle.f32 v25, $6.250000000e-02  }
0x4c: {  	(v2sf) =	vpush v50, $0x0;
	vm3 =	vle.f32 v26, $6.250000000e-02;
	v53 =	vmpcnt.ones.xlane vm2;
	v49, _, _ =	vpop (xrf0);
	(xrf0) =	vadd.scan.msk.s32 $0xffff, v47  }
0x4d: {  	(v2sf) =	vpush v51, $0x0;
	v54 =	vmpcnt.ones.xlane vm3  }
0x4e: {  	(v2sf) =	vpush v53, $0x0  }
0x4f: {  	v52 =	vsel vm2, $0x1, v0;
	(v2sf) =	vpush v54, $0x0;
	v27 =	vsub.s32 v49, v40  }
0x50: {  	(xrf0) =	vadd.scan.msk.s32 $0xffff, v52;
	v27 =	vadd.s32 s1, v27  }
0x51: {  	vm4 =	vlt.s32 v27, $0xA  }
0x52: {  	vm0 =	vmand vm0, vm4;
	v56, _, _ =	vpop (xrf0)  }
0x53: {  	v57 =	vsel vm3, $0x1, v0;
	v55 =	vadd.s32 v10, v27;
	v27 =	vsub.s32 v56, v47  }
0x54: {  	(xrf0) =	vadd.scan.msk.s32 $0xffff, v57;
	v58 =	vadd.s32 s2, v27  }
0x55: {  	vm13 =	vlt.s32 v58, $0xA  }
0x56: {  	v59, _, _ =	vpop (xrf0);
	vm1 =	vmand vm1, vm13  }
0x57: {  	v60 =	vor.u32 s15, v2;
	v27 =	vsub.s32 v59, v52;
	v25 =	vadd.s32 v13, v58  }
0x58: {  	v27 =	vadd.s32 s0, v27;
	[tilespmem:v55+s20+$0x0] =	vst.idx.msk vm0, v60  }
0x59: {  	vm14 =	vlt.s32 v27, $0xA;
	[tilespmem:v55+s21+$0x0] =	vst.idx.msk vm0, v22  }
0x5a: {  	vm2 =	vmand vm2, vm14;
	[tilespmem:v55+s22+$0x0] =	vst.idx.msk vm0, v23;
	v61, _, _ =	vpop (xrf0)  }
0x5b: {  	v27 =	vadd.s32 v17, v27;
	s16 =	spop (v2sf);
	[tilespmem:v55+s23+$0x0] =	vst.idx.msk vm0, v24;
	v62 =	vsub.s32 v61, v57  }
0x5c: {  	s1 =	sadd.s32 s1, s16;
	s17 =	spop (v2sf);
	v26 =	vadd.s32 s31, v62;
	[tilespmem:v25+s20+$0x0] =	vst.idx.msk vm1, v60  }
0x5d: {  	p0 =	slt.s32 s1, $0xA;
	s2 =	sadd.s32 s2, s17;
	s18 =	spop (v2sf);
	vm15 =	vlt.s32 v26, $0xA;
	[tilespmem:v25+s21+$0x0] =	vst.idx.msk vm1, v22  }
0x5e: {  	p1 =	slt.s32 s2, $0xA;
	s0 =	sadd.s32 s0, s18;
	s18 =	spop (v2sf);
	vm0 =	vmand vm3, vm15;
	[tilespmem:v25+s22+$0x0] =	vst.idx.msk vm1, v23  }
0x5f: {  	v63 =	vadd.s32 v21, v26;
	p0 =	por p0, p1;
	s31 =	sadd.s32 s31, s18;
	p4 =	slt.s32 s0, $0xA;
	[tilespmem:v25+s23+$0x0] =	vst.idx.msk vm1, v24  }
0x60: {  	p0 =	por p0, p4;
	p5 =	slt.s32 s31, $0xA;
	[tilespmem:v27+s20+$0x0] =	vst.idx.msk vm2, v60  }
0x61: {  	p6 =	sgt.u32 s15, $0x1FEF;
	p0 =	por p0, p5;
	[tilespmem:v27+s21+$0x0] =	vst.idx.msk vm2, v22  }
0x62: {  	p0 =	por p6, !p0;
	[tilespmem:v27+s22+$0x0] =	vst.idx.msk vm2, v23  }
.Ltmp1:
0x63: {  	[tilespmem:v27+s23+$0x0] =	vst.idx.msk vm2, v24;
	(pc) =	sbr.rel @!p0 .LBB2_5-.Ltmp1, $4  }
0x64: {  	[tilespmem:v63+s20+$0x0] =	vst.idx.msk vm0, v60  }
0x65: {  	[tilespmem:v63+s21+$0x0] =	vst.idx.msk vm0, v22  }
0x66: {  	s15 =	sadd.s32 $0x10, s15;
	[tilespmem:v63+s22+$0x0] =	vst.idx.msk vm0, v23  }
0x67: {  	s28 =	sadd.s32 $0x10, s28;
	s29 =	sadd.s32 $0x10, s29;
	s30 =	sadd.s32 $0x10, s30;
	[tilespmem:v63+s23+$0x0] =	vst.idx.msk vm0, v24  }
0x68: {  	v6 =	vbroadcast v5, $0x4;
	v7 =	vbroadcast v3, $0x4  }
0x69: {  	v8 =	vbroadcast v4, $0x4;
	v9 =	vbroadcast v5, $0x5  }
0x6a: {  	v11 =	vbroadcast v3, $0x5;
	v12 =	vbroadcast v4, $0x5  }
0x6b: {  	s0 =	sor.u32 $0x40, s26;
	s18 =	sor.u32 $0x50, s26;
	s1 =	sor.u32 $0x60, s26;
	v14 =	vbroadcast v5, $0x6;
	v15 =	vbroadcast v3, $0x6  }
0x6c: {  	s2 =	sor.u32 $0x70, s26;
	s31 =	simm.s32 $0x0;
	s28 =	simm.s32 $0x4000;
	v16 =	vbroadcast v4, $0x6;
	v18 =	vbroadcast v5, $0x7  }
0x6d: {  	s29 =	simm.s32 $0x2000;
	s30 =	simm.s32 $0x0;
	v19 =	vbroadcast v3, $0x7;
	v20 =	vbroadcast v4, $0x7;
	s15 =	simm.s32 $0x0;
	v10 =	vmov s0  }
0x6e: {  	v13 =	vmov s18;
	v17 =	vmov s1;
	s0 =	simm.s32 $0x0;
	v21 =	vmov s2;
	s2 =	simm.s32 $0x0;
	s1 =	simm.s32 $0x0  }
.LBB2_7:
0x6f: {  	v22 =	vld [tilespmem:s30+$0x0]  }
0x70: {  	v23 =	vld [tilespmem:s29+$0x0]  }
0x71: {  	v24 =	vld [tilespmem:s28+$0x0];
	_ =	sdelay $0x3  }
0x72: {  	v25 =	vsub.f32 v22, v6;
	v26 =	vsub.f32 v23, v7  }
0x73: {  	v27 =	vsub.f32 v24, v8  }
0x74: {  	v37 =	vsub.f32 v22, v9;
	v25 =	vmul.f32 v25, v25;
	v26 =	vmul.f32 v26, v26  }
0x75: {  	v28 =	vsub.f32 v23, v11;
	v38 =	vsub.f32 v24, v12  }
0x76: {  	v41 =	vsub.f32 v22, v14;
	v36 =	vmul.f32 v27, v27;
	v25 =	vadd.f32 v26, v25  }
0x77: {  	v29 =	vsub.f32 v23, v15;
	v42 =	vsub.f32 v24, v16  }
0x78: {  	v27 =	vmul.f32 v37, v37;
	v28 =	vmul.f32 v28, v28;
	v25 =	vadd.f32 v36, v25  }
0x79: {  	v30 =	vsub.f32 v22, v18;
	v31 =	vsub.f32 v23, v19  }
0x7a: {  	v29 =	vmul.f32 v29, v29;
	v39 =	vadd.f32 v28, v27;
	vm0 =	vle.f32 v25, $6.250000000e-02  }
0x7b: {  	v26 =	vmul.f32 v38, v38;
	v28 =	vmul.f32 v41, v41;
	v40 =	vsel vm0, $0x1, v0  }
0x7c: {  	v44 =	vsub.f32 v24, v20;
	v45 =	vmul.f32 v30, v30;
	v46 =	vmul.f32 v31, v31;
	(xrf0) =	vadd.scan.msk.s32 $0xffff, v40  }
0x7d: {  	v43 =	vadd.f32 v29, v28;
	v25 =	vadd.f32 v26, v39;
	v26 =	vmul.f32 v42, v42  }
0x7e: {  	v48 =	vadd.f32 v46, v45;
	v28 =	vmul.f32 v44, v44  }
0x7f: {  	vm1 =	vle.f32 v25, $6.250000000e-02;
	v25 =	vadd.f32 v26, v43  }
0x80: {  	v50 =	vmpcnt.ones.xlane vm0;
	v26 =	vadd.f32 v28, v48  }
0x81: {  	v47 =	vsel vm1, $0x1, v0;
	v51 =	vmpcnt.ones.xlane vm1;
	vm2 =	vle.f32 v25, $6.250000000e-02  }
0x82: {  	(v2sf) =	vpush v50, $0x0;
	vm3 =	vle.f32 v26, $6.250000000e-02;
	v53 =	vmpcnt.ones.xlane vm2;
	v49, _, _ =	vpop (xrf0);
	(xrf0) =	vadd.scan.msk.s32 $0xffff, v47  }
0x83: {  	(v2sf) =	vpush v51, $0x0;
	v54 =	vmpcnt.ones.xlane vm3  }
0x84: {  	(v2sf) =	vpush v53, $0x0  }
0x85: {  	v52 =	vsel vm2, $0x1, v0;
	(v2sf) =	vpush v54, $0x0;
	v27 =	vsub.s32 v49, v40  }
0x86: {  	(xrf0) =	vadd.scan.msk.s32 $0xffff, v52;
	v27 =	vadd.s32 s15, v27  }
0x87: {  	vm4 =	vlt.s32 v27, $0xA  }
0x88: {  	vm0 =	vmand vm0, vm4;
	v56, _, _ =	vpop (xrf0)  }
0x89: {  	v57 =	vsel vm3, $0x1, v0;
	v55 =	vadd.s32 v10, v27;
	v27 =	vsub.s32 v56, v47  }
0x8a: {  	(xrf0) =	vadd.scan.msk.s32 $0xffff, v57;
	v58 =	vadd.s32 s1, v27  }
0x8b: {  	vm13 =	vlt.s32 v58, $0xA  }
0x8c: {  	v59, _, _ =	vpop (xrf0);
	vm1 =	vmand vm1, vm13  }
0x8d: {  	v60 =	vor.u32 s31, v2;
	v27 =	vsub.s32 v59, v52;
	v25 =	vadd.s32 v13, v58  }
0x8e: {  	v27 =	vadd.s32 s2, v27;
	[tilespmem:v55+s20+$0x0] =	vst.idx.msk vm0, v60  }
0x8f: {  	vm14 =	vlt.s32 v27, $0xA;
	[tilespmem:v55+s21+$0x0] =	vst.idx.msk vm0, v22  }
0x90: {  	vm2 =	vmand vm2, vm14;
	[tilespmem:v55+s22+$0x0] =	vst.idx.msk vm0, v23;
	v61, _, _ =	vpop (xrf0)  }
0x91: {  	v27 =	vadd.s32 v17, v27;
	s16 =	spop (v2sf);
	[tilespmem:v55+s23+$0x0] =	vst.idx.msk vm0, v24;
	v62 =	vsub.s32 v61, v57  }
0x92: {  	s15 =	sadd.s32 s15, s16;
	s17 =	spop (v2sf);
	v26 =	vadd.s32 s0, v62;
	[tilespmem:v25+s20+$0x0] =	vst.idx.msk vm1, v60  }
0x93: {  	p0 =	slt.s32 s15, $0xA;
	s1 =	sadd.s32 s1, s17;
	s18 =	spop (v2sf);
	vm15 =	vlt.s32 v26, $0xA;
	[tilespmem:v25+s21+$0x0] =	vst.idx.msk vm1, v22  }
0x94: {  	p1 =	slt.s32 s1, $0xA;
	s2 =	sadd.s32 s2, s18;
	s18 =	spop (v2sf);
	vm0 =	vmand vm3, vm15;
	[tilespmem:v25+s22+$0x0] =	vst.idx.msk vm1, v23  }
0x95: {  	v63 =	vadd.s32 v21, v26;
	p0 =	por p0, p1;
	s0 =	sadd.s32 s0, s18;
	p4 =	slt.s32 s2, $0xA;
	[tilespmem:v25+s23+$0x0] =	vst.idx.msk vm1, v24  }
0x96: {  	p0 =	por p0, p4;
	p5 =	slt.s32 s0, $0xA;
	[tilespmem:v27+s20+$0x0] =	vst.idx.msk vm2, v60  }
0x97: {  	p6 =	sgt.u32 s31, $0x1FEF;
	p0 =	por p0, p5;
	[tilespmem:v27+s21+$0x0] =	vst.idx.msk vm2, v22  }
0x98: {  	p0 =	por p6, !p0;
	[tilespmem:v27+s22+$0x0] =	vst.idx.msk vm2, v23  }
.Ltmp2:
0x99: {  	[tilespmem:v27+s23+$0x0] =	vst.idx.msk vm2, v24;
	(pc) =	sbr.rel @!p0 .LBB2_7-.Ltmp2, $4  }
0x9a: {  	[tilespmem:v63+s20+$0x0] =	vst.idx.msk vm0, v60  }
0x9b: {  	[tilespmem:v63+s21+$0x0] =	vst.idx.msk vm0, v22  }
0x9c: {  	s31 =	sadd.s32 $0x10, s31;
	[tilespmem:v63+s22+$0x0] =	vst.idx.msk vm0, v23  }
0x9d: {  	s28 =	sadd.s32 $0x10, s28;
	s29 =	sadd.s32 $0x10, s29;
	s30 =	sadd.s32 $0x10, s30;
	[tilespmem:v63+s23+$0x0] =	vst.idx.msk vm0, v24  }
0x9e: {  	v6 =	vbroadcast v5, $0x8;
	v7 =	vbroadcast v3, $0x8  }
0x9f: {  	v8 =	vbroadcast v4, $0x8;
	v9 =	vbroadcast v5, $0x9  }
0xa0: {  	v11 =	vbroadcast v3, $0x9;
	v12 =	vbroadcast v4, $0x9  }
0xa1: {  	s0 =	sor.u32 $0x80, s26;
	s18 =	sor.u32 $0x90, s26;
	s1 =	sor.u32 $0xA0, s26;
	v14 =	vbroadcast v5, $0xA;
	v15 =	vbroadcast v3, $0xA  }
0xa2: {  	s2 =	sor.u32 $0xB0, s26;
	s31 =	simm.s32 $0x0;
	s28 =	simm.s32 $0x4000;
	v16 =	vbroadcast v4, $0xA;
	v18 =	vbroadcast v5, $0xB  }
0xa3: {  	s29 =	simm.s32 $0x2000;
	s30 =	simm.s32 $0x0;
	v19 =	vbroadcast v3, $0xB;
	v20 =	vbroadcast v4, $0xB;
	s15 =	simm.s32 $0x0;
	v10 =	vmov s0  }
0xa4: {  	v13 =	vmov s18;
	v17 =	vmov s1;
	s0 =	simm.s32 $0x0;
	v21 =	vmov s2;
	s2 =	simm.s32 $0x0;
	s1 =	simm.s32 $0x0  }
.LBB2_9:
0xa5: {  	v22 =	vld [tilespmem:s30+$0x0]  }
0xa6: {  	v23 =	vld [tilespmem:s29+$0x0]  }
0xa7: {  	v24 =	vld [tilespmem:s28+$0x0];
	_ =	sdelay $0x3  }
0xa8: {  	v25 =	vsub.f32 v22, v6;
	v26 =	vsub.f32 v23, v7  }
0xa9: {  	v27 =	vsub.f32 v24, v8  }
0xaa: {  	v37 =	vsub.f32 v22, v9;
	v25 =	vmul.f32 v25, v25;
	v26 =	vmul.f32 v26, v26  }
0xab: {  	v28 =	vsub.f32 v23, v11;
	v38 =	vsub.f32 v24, v12  }
0xac: {  	v41 =	vsub.f32 v22, v14;
	v36 =	vmul.f32 v27, v27;
	v25 =	vadd.f32 v26, v25  }
0xad: {  	v29 =	vsub.f32 v23, v15;
	v42 =	vsub.f32 v24, v16  }
0xae: {  	v27 =	vmul.f32 v37, v37;
	v28 =	vmul.f32 v28, v28;
	v25 =	vadd.f32 v36, v25  }
0xaf: {  	v30 =	vsub.f32 v22, v18;
	v31 =	vsub.f32 v23, v19  }
0xb0: {  	v29 =	vmul.f32 v29, v29;
	v39 =	vadd.f32 v28, v27;
	vm0 =	vle.f32 v25, $6.250000000e-02  }
0xb1: {  	v26 =	vmul.f32 v38, v38;
	v28 =	vmul.f32 v41, v41;
	v40 =	vsel vm0, $0x1, v0  }
0xb2: {  	v44 =	vsub.f32 v24, v20;
	v45 =	vmul.f32 v30, v30;
	v46 =	vmul.f32 v31, v31;
	(xrf0) =	vadd.scan.msk.s32 $0xffff, v40  }
0xb3: {  	v43 =	vadd.f32 v29, v28;
	v25 =	vadd.f32 v26, v39;
	v26 =	vmul.f32 v42, v42  }
0xb4: {  	v48 =	vadd.f32 v46, v45;
	v28 =	vmul.f32 v44, v44  }
0xb5: {  	vm1 =	vle.f32 v25, $6.250000000e-02;
	v25 =	vadd.f32 v26, v43  }
0xb6: {  	v50 =	vmpcnt.ones.xlane vm0;
	v26 =	vadd.f32 v28, v48  }
0xb7: {  	v47 =	vsel vm1, $0x1, v0;
	v51 =	vmpcnt.ones.xlane vm1;
	vm2 =	vle.f32 v25, $6.250000000e-02  }
0xb8: {  	(v2sf) =	vpush v50, $0x0;
	vm3 =	vle.f32 v26, $6.250000000e-02;
	v53 =	vmpcnt.ones.xlane vm2;
	v49, _, _ =	vpop (xrf0);
	(xrf0) =	vadd.scan.msk.s32 $0xffff, v47  }
0xb9: {  	(v2sf) =	vpush v51, $0x0;
	v54 =	vmpcnt.ones.xlane vm3  }
0xba: {  	(v2sf) =	vpush v53, $0x0  }
0xbb: {  	v52 =	vsel vm2, $0x1, v0;
	(v2sf) =	vpush v54, $0x0;
	v27 =	vsub.s32 v49, v40  }
0xbc: {  	(xrf0) =	vadd.scan.msk.s32 $0xffff, v52;
	v27 =	vadd.s32 s15, v27  }
0xbd: {  	vm4 =	vlt.s32 v27, $0xA  }
0xbe: {  	vm0 =	vmand vm0, vm4;
	v56, _, _ =	vpop (xrf0)  }
0xbf: {  	v57 =	vsel vm3, $0x1, v0;
	v55 =	vadd.s32 v10, v27;
	v27 =	vsub.s32 v56, v47  }
0xc0: {  	(xrf0) =	vadd.scan.msk.s32 $0xffff, v57;
	v58 =	vadd.s32 s1, v27  }
0xc1: {  	vm13 =	vlt.s32 v58, $0xA  }
0xc2: {  	v59, _, _ =	vpop (xrf0);
	vm1 =	vmand vm1, vm13  }
0xc3: {  	v60 =	vor.u32 s31, v2;
	v27 =	vsub.s32 v59, v52;
	v25 =	vadd.s32 v13, v58  }
0xc4: {  	v27 =	vadd.s32 s2, v27;
	[tilespmem:v55+s20+$0x0] =	vst.idx.msk vm0, v60  }
0xc5: {  	vm14 =	vlt.s32 v27, $0xA;
	[tilespmem:v55+s21+$0x0] =	vst.idx.msk vm0, v22  }
0xc6: {  	vm2 =	vmand vm2, vm14;
	[tilespmem:v55+s22+$0x0] =	vst.idx.msk vm0, v23;
	v61, _, _ =	vpop (xrf0)  }
0xc7: {  	v27 =	vadd.s32 v17, v27;
	s16 =	spop (v2sf);
	[tilespmem:v55+s23+$0x0] =	vst.idx.msk vm0, v24;
	v62 =	vsub.s32 v61, v57  }
0xc8: {  	s15 =	sadd.s32 s15, s16;
	s17 =	spop (v2sf);
	v26 =	vadd.s32 s0, v62;
	[tilespmem:v25+s20+$0x0] =	vst.idx.msk vm1, v60  }
0xc9: {  	p0 =	slt.s32 s15, $0xA;
	s1 =	sadd.s32 s1, s17;
	s18 =	spop (v2sf);
	vm15 =	vlt.s32 v26, $0xA;
	[tilespmem:v25+s21+$0x0] =	vst.idx.msk vm1, v22  }
0xca: {  	p1 =	slt.s32 s1, $0xA;
	s2 =	sadd.s32 s2, s18;
	s18 =	spop (v2sf);
	vm0 =	vmand vm3, vm15;
	[tilespmem:v25+s22+$0x0] =	vst.idx.msk vm1, v23  }
0xcb: {  	v63 =	vadd.s32 v21, v26;
	p0 =	por p0, p1;
	s0 =	sadd.s32 s0, s18;
	p4 =	slt.s32 s2, $0xA;
	[tilespmem:v25+s23+$0x0] =	vst.idx.msk vm1, v24  }
0xcc: {  	p0 =	por p0, p4;
	p5 =	slt.s32 s0, $0xA;
	[tilespmem:v27+s20+$0x0] =	vst.idx.msk vm2, v60  }
0xcd: {  	p6 =	sgt.u32 s31, $0x1FEF;
	p0 =	por p0, p5;
	[tilespmem:v27+s21+$0x0] =	vst.idx.msk vm2, v22  }
0xce: {  	p0 =	por p6, !p0;
	[tilespmem:v27+s22+$0x0] =	vst.idx.msk vm2, v23  }
.Ltmp3:
0xcf: {  	[tilespmem:v27+s23+$0x0] =	vst.idx.msk vm2, v24;
	(pc) =	sbr.rel @!p0 .LBB2_9-.Ltmp3, $4  }
0xd0: {  	[tilespmem:v63+s20+$0x0] =	vst.idx.msk vm0, v60  }
0xd1: {  	[tilespmem:v63+s21+$0x0] =	vst.idx.msk vm0, v22  }
0xd2: {  	s31 =	sadd.s32 $0x10, s31;
	[tilespmem:v63+s22+$0x0] =	vst.idx.msk vm0, v23  }
0xd3: {  	s28 =	sadd.s32 $0x10, s28;
	s29 =	sadd.s32 $0x10, s29;
	s30 =	sadd.s32 $0x10, s30;
	[tilespmem:v63+s23+$0x0] =	vst.idx.msk vm0, v24  }
0xd4: {  	v6 =	vbroadcast v5, $0xC;
	v7 =	vbroadcast v3, $0xC  }
0xd5: {  	v8 =	vbroadcast v4, $0xC;
	v9 =	vbroadcast v5, $0xD  }
0xd6: {  	v11 =	vbroadcast v3, $0xD;
	v12 =	vbroadcast v4, $0xD  }
0xd7: {  	s0 =	sor.u32 $0xC0, s26;
	s31 =	sor.u32 $0xD0, s26;
	s1 =	sor.u32 $0xE0, s26;
	v14 =	vbroadcast v5, $0xE;
	v15 =	vbroadcast v3, $0xE  }
0xd8: {  	s2 =	sor.u32 $0xF0, s26;
	s30 =	simm.s32 $0x0;
	s26 =	simm.s32 $0x4000;
	v16 =	vbroadcast v4, $0xE;
	v5 =	vbroadcast v5, $0xF  }
0xd9: {  	s28 =	simm.s32 $0x2000;
	s29 =	simm.s32 $0x0;
	v3 =	vbroadcast v3, $0xF;
	v4 =	vbroadcast v4, $0xF;
	s15 =	simm.s32 $0x0;
	v10 =	vmov s0  }
0xda: {  	v13 =	vmov s31;
	v17 =	vmov s1;
	s0 =	simm.s32 $0x0;
	v18 =	vmov s2;
	s2 =	simm.s32 $0x0;
	s1 =	simm.s32 $0x0  }
.LBB2_11:
0xdb: {  	v19 =	vld [tilespmem:s29+$0x0]  }
0xdc: {  	v20 =	vld [tilespmem:s28+$0x0]  }
0xdd: {  	v21 =	vld [tilespmem:s26+$0x0];
	_ =	sdelay $0x3  }
0xde: {  	v22 =	vsub.f32 v19, v6;
	v23 =	vsub.f32 v20, v7  }
0xdf: {  	v24 =	vsub.f32 v21, v8  }
0xe0: {  	v37 =	vsub.f32 v19, v9;
	v22 =	vmul.f32 v22, v22;
	v23 =	vmul.f32 v23, v23  }
0xe1: {  	v25 =	vsub.f32 v20, v11;
	v38 =	vsub.f32 v21, v12  }
0xe2: {  	v41 =	vsub.f32 v19, v14;
	v36 =	vmul.f32 v24, v24;
	v22 =	vadd.f32 v23, v22  }
0xe3: {  	v26 =	vsub.f32 v20, v15;
	v42 =	vsub.f32 v21, v16  }
0xe4: {  	v24 =	vmul.f32 v37, v37;
	v25 =	vmul.f32 v25, v25;
	v22 =	vadd.f32 v36, v22  }
0xe5: {  	v27 =	vsub.f32 v19, v5;
	v28 =	vsub.f32 v20, v3  }
0xe6: {  	v26 =	vmul.f32 v26, v26;
	v39 =	vadd.f32 v25, v24;
	vm0 =	vle.f32 v22, $6.250000000e-02  }
0xe7: {  	v23 =	vmul.f32 v38, v38;
	v25 =	vmul.f32 v41, v41;
	v40 =	vsel vm0, $0x1, v0  }
0xe8: {  	v44 =	vsub.f32 v21, v4;
	v45 =	vmul.f32 v27, v27;
	v46 =	vmul.f32 v28, v28;
	(xrf0) =	vadd.scan.msk.s32 $0xffff, v40  }
0xe9: {  	v43 =	vadd.f32 v26, v25;
	v22 =	vadd.f32 v23, v39;
	v23 =	vmul.f32 v42, v42  }
0xea: {  	v48 =	vadd.f32 v46, v45;
	v25 =	vmul.f32 v44, v44  }
0xeb: {  	vm1 =	vle.f32 v22, $6.250000000e-02;
	v22 =	vadd.f32 v23, v43  }
0xec: {  	v50 =	vmpcnt.ones.xlane vm0;
	v23 =	vadd.f32 v25, v48  }
0xed: {  	v47 =	vsel vm1, $0x1, v0;
	v51 =	vmpcnt.ones.xlane vm1;
	vm2 =	vle.f32 v22, $6.250000000e-02  }
0xee: {  	(v2sf) =	vpush v50, $0x0;
	vm3 =	vle.f32 v23, $6.250000000e-02;
	v53 =	vmpcnt.ones.xlane vm2;
	v49, _, _ =	vpop (xrf0);
	(xrf0) =	vadd.scan.msk.s32 $0xffff, v47  }
0xef: {  	(v2sf) =	vpush v51, $0x0;
	v54 =	vmpcnt.ones.xlane vm3  }
0xf0: {  	(v2sf) =	vpush v53, $0x0  }
0xf1: {  	v52 =	vsel vm2, $0x1, v0;
	(v2sf) =	vpush v54, $0x0;
	v24 =	vsub.s32 v49, v40  }
0xf2: {  	(xrf0) =	vadd.scan.msk.s32 $0xffff, v52;
	v24 =	vadd.s32 s15, v24  }
0xf3: {  	vm4 =	vlt.s32 v24, $0xA  }
0xf4: {  	vm0 =	vmand vm0, vm4;
	v56, _, _ =	vpop (xrf0)  }
0xf5: {  	v57 =	vsel vm3, $0x1, v0;
	v55 =	vadd.s32 v10, v24;
	v24 =	vsub.s32 v56, v47  }
0xf6: {  	(xrf0) =	vadd.scan.msk.s32 $0xffff, v57;
	v58 =	vadd.s32 s1, v24  }
0xf7: {  	vm13 =	vlt.s32 v58, $0xA  }
0xf8: {  	v59, _, _ =	vpop (xrf0);
	vm1 =	vmand vm1, vm13  }
0xf9: {  	v60 =	vor.u32 s30, v2;
	v24 =	vsub.s32 v59, v52;
	v22 =	vadd.s32 v13, v58  }
0xfa: {  	v24 =	vadd.s32 s2, v24;
	[tilespmem:v55+s20+$0x0] =	vst.idx.msk vm0, v60  }
0xfb: {  	vm14 =	vlt.s32 v24, $0xA;
	[tilespmem:v55+s21+$0x0] =	vst.idx.msk vm0, v19  }
0xfc: {  	vm2 =	vmand vm2, vm14;
	[tilespmem:v55+s22+$0x0] =	vst.idx.msk vm0, v20;
	v61, _, _ =	vpop (xrf0)  }
0xfd: {  	v24 =	vadd.s32 v17, v24;
	s16 =	spop (v2sf);
	[tilespmem:v55+s23+$0x0] =	vst.idx.msk vm0, v21;
	v62 =	vsub.s32 v61, v57  }
0xfe: {  	s15 =	sadd.s32 s15, s16;
	s17 =	spop (v2sf);
	v23 =	vadd.s32 s0, v62;
	[tilespmem:v22+s20+$0x0] =	vst.idx.msk vm1, v60  }
0xff: {  	p0 =	slt.s32 s15, $0xA;
	s1 =	sadd.s32 s1, s17;
	s18 =	spop (v2sf);
	vm15 =	vlt.s32 v23, $0xA;
	[tilespmem:v22+s21+$0x0] =	vst.idx.msk vm1, v19  }
0x100: {  	p1 =	slt.s32 s1, $0xA;
	s2 =	sadd.s32 s2, s18;
	s31 =	spop (v2sf);
	vm0 =	vmand vm3, vm15;
	[tilespmem:v22+s22+$0x0] =	vst.idx.msk vm1, v20  }
0x101: {  	v63 =	vadd.s32 v18, v23;
	p0 =	por p0, p1;
	s0 =	sadd.s32 s0, s31;
	p4 =	slt.s32 s2, $0xA;
	[tilespmem:v22+s23+$0x0] =	vst.idx.msk vm1, v21  }
0x102: {  	p0 =	por p0, p4;
	p5 =	slt.s32 s0, $0xA;
	[tilespmem:v24+s20+$0x0] =	vst.idx.msk vm2, v60  }
0x103: {  	p6 =	sgt.u32 s30, $0x1FEF;
	p0 =	por p0, p5;
	[tilespmem:v24+s21+$0x0] =	vst.idx.msk vm2, v19  }
0x104: {  	p0 =	por p6, !p0;
	[tilespmem:v24+s22+$0x0] =	vst.idx.msk vm2, v20  }
.Ltmp4:
0x105: {  	[tilespmem:v24+s23+$0x0] =	vst.idx.msk vm2, v21;
	(pc) =	sbr.rel @!p0 .LBB2_11-.Ltmp4, $4  }
0x106: {  	[tilespmem:v63+s20+$0x0] =	vst.idx.msk vm0, v60  }
0x107: {  	[tilespmem:v63+s21+$0x0] =	vst.idx.msk vm0, v19  }
0x108: {  	s30 =	sadd.s32 $0x10, s30;
	[tilespmem:v63+s22+$0x0] =	vst.idx.msk vm0, v20  }
0x109: {  	s26 =	sadd.s32 $0x10, s26;
	s28 =	sadd.s32 $0x10, s28;
	s29 =	sadd.s32 $0x10, s29;
	[tilespmem:v63+s23+$0x0] =	vst.idx.msk vm0, v21  }
0x10a: {  	s25 =	sadd.s32 $0x1, s25  }
0x10b: {  	p0 =	sne.s32 s25, $0x10  }
.Ltmp5:
0x10c: {  	_ = 	snop;
	(pc) =	sbr.rel @p0 .LBB2_4-.Ltmp5, $1  }
0x10d: {  	_ =	sdelay $0x3  }
0x10e: {  	[hbm4b:s9+s3] =	stream.linear.scatter [tilespmem:s20], [sflag:$0x1], $0x1000, $0x38;
	[tilespmem:$0xA300] =	vst v63  }
0x10f: {  	_ =	swait.ge [sflag:s14], $0x1000  }
0x110: {  	[sflag:s14] =	ssyncset.done $0x0  }
0x111: {  	[sflag:s14] =	ssyncadd.s32 $0xFFFFF000  }
0x112: {  	[hbm4b:s10+s3] =	stream.linear.scatter [tilespmem:s21], [sflag:$0x1], $0x1000, $0x38;
	[tilespmem:$0xA300] =	vst v63  }
0x113: {  	_ =	swait.ge [sflag:s14], $0x1000  }
0x114: {  	[sflag:s14] =	ssyncset.done $0x0  }
0x115: {  	[sflag:s14] =	ssyncadd.s32 $0xFFFFF000  }
0x116: {  	[hbm4b:s11+s3] =	stream.linear.scatter [tilespmem:s22], [sflag:$0x1], $0x1000, $0x38;
	[tilespmem:$0xA300] =	vst v63  }
0x117: {  	s24 =	sadd.s32 $0x1, s24;
	_ =	swait.ge [sflag:s14], $0x1000  }
0x118: {  	p0 =	sne.s32 s24, s13;
	[sflag:s14] =	ssyncset.done $0x0  }
.Ltmp6:
0x119: {  	[sflag:s14] =	ssyncadd.s32 $0xFFFFF000;
	(pc) =	sbr.rel @p0 .LBB2_1-.Ltmp6, $4  }
0x11a: {  	[hbm4b:s12+s3] =	stream.linear.scatter [tilespmem:s23], [sflag:$0x1], $0x1000, $0x38;
	[tilespmem:$0xA300] =	vst v63  }
0x11b: {  	_ =	swait.ge [sflag:s14], $0x1000  }
0x11c: {  	[sflag:s14] =	ssyncset.done $0x0  }
0x11d: {  	[sflag:s14] =	ssyncadd.s32 $0xFFFFF000  }
0x11e: {  	_ =	sfence.sel $0x180000  }
0x11f: {  	[bflag:$0x0] =	sbarrier.arrive $0xFFFF  }
0x120: {  	_ =	strace $0x90000047  }
0x121: {  	s0 =	stileid.u32;
	[bflag:$0x2] =	sbarrier.arrive $0xFFFF  }
0x122: {  	p0 =	sne.s32 s0, $0x0;
	s0 =	rddreg [dreg:$0x3]  }
0x123: {  	s0 =	sadd.s32 @!p0 $0x100000, s0  }
0x124: {  	[sflag:s0] =	ssyncadd.tile.s32 @!p0 $0x1;
	_ =	shalt  }
.Lfunc_end2:
_tile_overlayer_lowered:
.L_overlay_start_2:
0x125: {  	(tag) =	ssettag $0x2  }
0x126: {  	s0 =	rddreg [dreg:$0x0];
	s2 =	stileid.u32  }
0x127: {  	s1 =	rddreg [dreg:$0x1];
	p0 =	sne.s32 s2, $0x0  }
0x128: {  	s3 =	rddreg [dreg:$0x2];
	[bflag:$0x3] =	sbarrier.arrive $0xFFFF;
	s2 =	simm.s32 @!p0 $0x1C01  }
0x129: {  	[timem:s3], [sflag:s2] =	dma.local @!p0 [hbm:s0], s1  }
0x12a: {  	s0 =	simm.s32 @!p0 $0x1  }
0x12b: {  	_ =	swait.ge @!p0 [sflag:s0], s1  }
0x12c: {  	s1 =	ssub.s32 @!p0 $0x0, s1;
	[sflag:s0] =	ssyncset.done @!p0 $0x0  }
0x12d: {  	[sflag:s0] =	ssyncadd.s32 @!p0 s1  }
0x12e: {  	[bflag:$0x3] =	sbarrier.arrive $0xFFFF  }
0x12f: {  	_ =	shalt  }

</sc_bundles>
